<compile_context>
chip_gen: v7x
topology: tpu7x:2x2x1
jax: 0.10.2.dev20260603
libtpu: 0.0.44.dev20260713+nightly
codegen_flags: <defaults>
</compile_context>

<pallas_src>
import functools

import jax
import jax.numpy as jnp
from jax import lax
from jax.experimental import pallas as pl
from jax.experimental.pallas import tpu as pltpu
from jax.experimental.pallas import tpu_sc as plsc

D_MODEL = 64
SEQ = 50
BATCH = 16384

_NC, _NS = 2, 16
_NW = _NC * _NS

_BLK = 128
_NBLK = BATCH // _BLK
_BLK_PER_W = _NBLK // _NW
_W_IDX = _BLK_PER_W * _BLK * SEQ
_UNITS = _BLK_PER_W * SEQ


def _gather_call(table, idx):
    mesh = plsc.VectorSubcoreMesh(core_axis_name="c", subcore_axis_name="s")

    @functools.partial(
        pl.kernel,
        mesh=mesh,
        out_type=jax.ShapeDtypeStruct((SEQ, 8, _NBLK, 8, _BLK), jnp.float32),
        scratch_types=[
            pltpu.VMEM((_W_IDX,), jnp.int32),
            pltpu.VMEM((_BLK,), jnp.int32),
            pltpu.VMEM((_BLK,), jnp.int32),
            pltpu.VMEM((_BLK, D_MODEL), jnp.float32),
            pltpu.VMEM((_BLK, D_MODEL), jnp.float32),
            pltpu.VMEM((8, 1, 8, _BLK + 8), jnp.float32),
            pltpu.VMEM((8, 1, 8, _BLK + 8), jnp.float32),
            pltpu.SemaphoreType.DMA,
            pltpu.SemaphoreType.DMA,
            pltpu.SemaphoreType.DMA,
            pltpu.SemaphoreType.DMA,
            pltpu.SemaphoreType.DMA,
        ],
        compiler_params=pltpu.CompilerParams(
            use_tc_tiling_on_sc=False, needs_layout_passes=False),
    )
    def k(table_hbm, idx_hbm, out_hbm,
          iall, cidx0, cidx1, rows0, rows1, unit0, unit1,
          s_i, sg0, sg1, so0, so1):
        cidx = (cidx0, cidx1)
        rows = (rows0, rows1)
        unit = (unit0, unit1)
        s_g = (sg0, sg1)
        s_o = (so0, so1)

        wid = lax.axis_index("s") * _NC + lax.axis_index("c")

        iota16 = lax.iota(jnp.int32, 16)
        ivec50 = iota16 * SEQ

        def gather_copy(p):
            return pltpu.make_async_copy(table_hbm.at[cidx[p]], rows[p], s_g[p])

        def out_copy(u, p):
            blk = u // SEQ
            s = u % SEQ
            b1 = wid * _BLK_PER_W + blk
            return pltpu.make_async_copy(
                unit[p].at[:, :, :, pl.ds(0, _BLK)],
                out_hbm.at[s, :, pl.ds(b1, 1), :, :], s_o[p])

        def build_cidx(u, p):
            blk = u // SEQ
            s = u % SEQ
            base = blk * (_BLK * SEQ) + s
            for kk in range(8):
                offs = ivec50 + (base + kk * 16 * SEQ)
                cidx[p][pl.ds(16 * kk, 16)] = plsc.load_gather(iall, [offs])

        z16 = jnp.zeros((16,), jnp.int32)
        d1c = [(16 * dq + iota16) // 8 for dq in range(4)]
        d2c = [(16 * dq + iota16) % 8 for dq in range(4)]

        def transpose(p):
            @plsc.parallel_loop(0, _BLK, unroll=8)
            def jbody(j):
                jsplat = z16 + j
                for dq in range(4):
                    v = rows[p][j, pl.ds(16 * dq, 16)]
                    plsc.store_scatter(
                        unit[p], [d1c[dq], z16, d2c[dq], jsplat], v)

        pltpu.make_async_copy(
            idx_hbm.at[pl.ds(wid * _W_IDX, _W_IDX)], iall, s_i).start()
        pltpu.make_async_copy(
            idx_hbm.at[pl.ds(wid * _W_IDX, _W_IDX)], iall, s_i).wait()

        build_cidx(0, 0)
        gather_copy(0).start()
        build_cidx(1, 1)
        gather_copy(1).start()

        def pair(i, carry):
            for sub in (0, 1):
                u = 2 * i + sub
                gather_copy(sub).wait()

                @pl.when(u >= 2)
                def _():
                    out_copy(u - 2, sub).wait()

                transpose(sub)
                out_copy(u, sub).start()

                @pl.when(u + 2 < _UNITS)
                def _():
                    build_cidx(u + 2, sub)
                    gather_copy(sub).start()

            return carry

        lax.fori_loop(0, _UNITS // 2, pair, 0)
        out_copy(_UNITS - 2, 0).wait()
        out_copy(_UNITS - 1, 1).wait()

    return k(table, idx)


def kernel(data, table):
    idx = data.reshape(-1)
    out5 = _gather_call(table, idx)
    return out5.transpose(2, 4, 0, 1, 3).reshape(BATCH, SEQ, D_MODEL)

# --- scband reference (transcript-rebuilt; emitter-appended) ---
"""Pipeline reference for scband-embedding-8761733284581 (READ-ONLY COPY).

The authoritative reference and input builder live on the scoring server;
editing this copy changes nothing except your own understanding.
"""

import jax, jax.numpy as jnp
import numpy as np

NUM_TOKENS = 1000000
D_MODEL = 64

def setup_inputs(seed: int = 0) -> dict:
    key = jax.random.key(seed)
    k1, k2 = jax.random.split(key)
    data = jax.random.randint(k1, (16384, 50), 0, NUM_TOKENS, dtype=jnp.int64 if jax.config.jax_enable_x64 else jnp.int32)
    table = jax.random.normal(k2, (NUM_TOKENS, D_MODEL), dtype=jnp.float32)
    # padding_idx=0: PyTorch initializes the padding row to zeros
    table = table.at[0].set(0.0)
    return {"data": data, "table": table}

def reference(data, table):
    # nn.Embedding forward: gather rows of the table by index
    return jnp.take(table, data, axis=0)

if __name__ == "__main__":
    import jax
    _d = setup_inputs()
    print(jax.jit(kernel)(*tuple(_d.values())))

</pallas_src>

<mosaic_0001>
#map = affine_map<(d0, d1) -> (0, 0)>
#map1 = affine_map<(d0, d1) -> (0)>
#map2 = affine_map<(d0, d1) -> (0, 0, 0, 0, 0)>
module attributes {stable_mosaic.version = 14 : i64} {
  func.func @k(%arg0: i32, %arg1: i32, %arg2: memref<1000000x64xf32, #tpu.memory_space<hbm>>, %arg3: memref<819200xi32, #tpu.memory_space<hbm>>, %arg4: memref<50x8x128x8x128xf32, #tpu.memory_space<hbm>>, %arg5: memref<25600xi32, #tpu.memory_space<vmem>>, %arg6: memref<128xi32, #tpu.memory_space<vmem>>, %arg7: memref<128xi32, #tpu.memory_space<vmem>>, %arg8: memref<128x64xf32, #tpu.memory_space<vmem>>, %arg9: memref<128x64xf32, #tpu.memory_space<vmem>>, %arg10: memref<8x1x8x136xf32, #tpu.memory_space<vmem>>, %arg11: memref<8x1x8x136xf32, #tpu.memory_space<vmem>>, %arg12: memref<!tpu.dma_semaphore, #tpu.memory_space<semaphore_mem>>, %arg13: memref<!tpu.dma_semaphore, #tpu.memory_space<semaphore_mem>>, %arg14: memref<!tpu.dma_semaphore, #tpu.memory_space<semaphore_mem>>, %arg15: memref<!tpu.dma_semaphore, #tpu.memory_space<semaphore_mem>>, %arg16: memref<!tpu.dma_semaphore, #tpu.memory_space<semaphore_mem>>) attributes {dimension_semantics = [#tpu.dimension_semantics<core_parallel>, #tpu.dimension_semantics<subcore_parallel>], iteration_bounds = array<i64: 2, 16>, scalar_prefetch = 0 : i64, scratch_operands = 12 : i64, tpu.core_type = #tpu.core_type<sc_vector_subcore>, window_params = [{transform_indices = #map}, {transform_indices = #map1}, {transform_indices = #map2}]} {
    %mul3A = arith.constant 2 : i32
    %mul3A_0 = arith.muli %arg1, %mul3A : i32
    %add3A = arith.addi %mul3A_0, %arg0 : i32
    %iota3A = tpu.iota {dimensions = array<i32: 0>} : vector<16xi32>
    %mul3A_1 = arith.constant 50 : i32
    %mul3A_2 = vector.broadcast %mul3A_1 : i32 to vector<16xi32>
    %mul3A_3 = arith.muli %iota3A, %mul3A_2 : vector<16xi32>
    %broadcast_in_dim3A = arith.constant 0 : i32
    %broadcast_in_dim3A_4 = vector.broadcast %broadcast_in_dim3A : i32 to vector<16xi32>
    %add3A_5 = arith.constant 0 : i32
    %add3A_6 = vector.broadcast %add3A_5 : i32 to vector<16xi32>
    %add3A_7 = arith.addi %add3A_6, %iota3A : vector<16xi32>
    %jit3A = arith.constant 8 : i32
    %div3A = vector.broadcast %jit3A : i32 to vector<16xi32>
    %div3A_8 = arith.divsi %add3A_7, %div3A : vector<16xi32>
    %sign3A = arith.constant 0 : i32
    %sign3A_9 = vector.broadcast %sign3A : i32 to vector<16xi32>
    %sign3A_10 = arith.cmpi sgt, %add3A_7, %sign3A_9 : vector<16xi32>
    %sign3A_11 = arith.extui %sign3A_10 : vector<16xi1> to vector<16xi32>
    %sign3A_12 = arith.constant 0 : i32
    %sign3A_13 = vector.broadcast %sign3A_12 : i32 to vector<16xi32>
    %sign3A_14 = arith.cmpi slt, %add3A_7, %sign3A_13 : vector<16xi32>
    %sign3A_15 = arith.extui %sign3A_14 : vector<16xi1> to vector<16xi32>
    %sign3A_16 = arith.subi %sign3A_11, %sign3A_15 : vector<16xi32>
    %sign3A_17 = arith.constant 0 : i32
    %sign3A_18 = arith.cmpi sgt, %jit3A, %sign3A_17 : i32
    %sign3A_19 = arith.extui %sign3A_18 : i1 to i32
    %sign3A_20 = arith.constant 0 : i32
    %sign3A_21 = arith.cmpi slt, %jit3A, %sign3A_20 : i32
    %sign3A_22 = arith.extui %sign3A_21 : i1 to i32
    %sign3A_23 = arith.subi %sign3A_19, %sign3A_22 : i32
    %ne3A = vector.broadcast %sign3A_23 : i32 to vector<16xi32>
    %ne3A_24 = arith.cmpi ne, %sign3A_16, %ne3A : vector<16xi32>
    %rem3A = vector.broadcast %jit3A : i32 to vector<16xi32>
    %rem3A_25 = arith.remsi %add3A_7, %rem3A : vector<16xi32>
    %ne3A_26 = arith.constant 0 : i32
    %ne3A_27 = vector.broadcast %ne3A_26 : i32 to vector<16xi32>
    %ne3A_28 = arith.cmpi ne, %rem3A_25, %ne3A_27 : vector<16xi32>
    %and3A = arith.andi %ne3A_24, %ne3A_28 : vector<16xi1>
    %sub3A = arith.constant 1 : i32
    %sub3A_29 = vector.broadcast %sub3A : i32 to vector<16xi32>
    %sub3A_30 = arith.subi %div3A_8, %sub3A_29 : vector<16xi32>
    %select_n3A = arith.select %and3A, %sub3A_30, %div3A_8 : vector<16xi1>, vector<16xi32>
    %add3A_31 = arith.constant 16 : i32
    %add3A_32 = vector.broadcast %add3A_31 : i32 to vector<16xi32>
    %add3A_33 = arith.addi %add3A_32, %iota3A : vector<16xi32>
    %jit3A_34 = arith.constant 8 : i32
    %div3A_35 = vector.broadcast %jit3A_34 : i32 to vector<16xi32>
    %div3A_36 = arith.divsi %add3A_33, %div3A_35 : vector<16xi32>
    %sign3A_37 = arith.constant 0 : i32
    %sign3A_38 = vector.broadcast %sign3A_37 : i32 to vector<16xi32>
    %sign3A_39 = arith.cmpi sgt, %add3A_33, %sign3A_38 : vector<16xi32>
    %sign3A_40 = arith.extui %sign3A_39 : vector<16xi1> to vector<16xi32>
    %sign3A_41 = arith.constant 0 : i32
    %sign3A_42 = vector.broadcast %sign3A_41 : i32 to vector<16xi32>
    %sign3A_43 = arith.cmpi slt, %add3A_33, %sign3A_42 : vector<16xi32>
    %sign3A_44 = arith.extui %sign3A_43 : vector<16xi1> to vector<16xi32>
    %sign3A_45 = arith.subi %sign3A_40, %sign3A_44 : vector<16xi32>
    %sign3A_46 = arith.constant 0 : i32
    %sign3A_47 = arith.cmpi sgt, %jit3A_34, %sign3A_46 : i32
    %sign3A_48 = arith.extui %sign3A_47 : i1 to i32
    %sign3A_49 = arith.constant 0 : i32
    %sign3A_50 = arith.cmpi slt, %jit3A_34, %sign3A_49 : i32
    %sign3A_51 = arith.extui %sign3A_50 : i1 to i32
    %sign3A_52 = arith.subi %sign3A_48, %sign3A_51 : i32
    %ne3A_53 = vector.broadcast %sign3A_52 : i32 to vector<16xi32>
    %ne3A_54 = arith.cmpi ne, %sign3A_45, %ne3A_53 : vector<16xi32>
    %rem3A_55 = vector.broadcast %jit3A_34 : i32 to vector<16xi32>
    %rem3A_56 = arith.remsi %add3A_33, %rem3A_55 : vector<16xi32>
    %ne3A_57 = arith.constant 0 : i32
    %ne3A_58 = vector.broadcast %ne3A_57 : i32 to vector<16xi32>
    %ne3A_59 = arith.cmpi ne, %rem3A_56, %ne3A_58 : vector<16xi32>
    %and3A_60 = arith.andi %ne3A_54, %ne3A_59 : vector<16xi1>
    %sub3A_61 = arith.constant 1 : i32
    %sub3A_62 = vector.broadcast %sub3A_61 : i32 to vector<16xi32>
    %sub3A_63 = arith.subi %div3A_36, %sub3A_62 : vector<16xi32>
    %select_n3A_64 = arith.select %and3A_60, %sub3A_63, %div3A_36 : vector<16xi1>, vector<16xi32>
    %add3A_65 = arith.constant 32 : i32
    %add3A_66 = vector.broadcast %add3A_65 : i32 to vector<16xi32>
    %add3A_67 = arith.addi %add3A_66, %iota3A : vector<16xi32>
    %jit3A_68 = arith.constant 8 : i32
    %div3A_69 = vector.broadcast %jit3A_68 : i32 to vector<16xi32>
    %div3A_70 = arith.divsi %add3A_67, %div3A_69 : vector<16xi32>
    %sign3A_71 = arith.constant 0 : i32
    %sign3A_72 = vector.broadcast %sign3A_71 : i32 to vector<16xi32>
    %sign3A_73 = arith.cmpi sgt, %add3A_67, %sign3A_72 : vector<16xi32>
    %sign3A_74 = arith.extui %sign3A_73 : vector<16xi1> to vector<16xi32>
    %sign3A_75 = arith.constant 0 : i32
    %sign3A_76 = vector.broadcast %sign3A_75 : i32 to vector<16xi32>
    %sign3A_77 = arith.cmpi slt, %add3A_67, %sign3A_76 : vector<16xi32>
    %sign3A_78 = arith.extui %sign3A_77 : vector<16xi1> to vector<16xi32>
    %sign3A_79 = arith.subi %sign3A_74, %sign3A_78 : vector<16xi32>
    %sign3A_80 = arith.constant 0 : i32
    %sign3A_81 = arith.cmpi sgt, %jit3A_68, %sign3A_80 : i32
    %sign3A_82 = arith.extui %sign3A_81 : i1 to i32
    %sign3A_83 = arith.constant 0 : i32
    %sign3A_84 = arith.cmpi slt, %jit3A_68, %sign3A_83 : i32
    %sign3A_85 = arith.extui %sign3A_84 : i1 to i32
    %sign3A_86 = arith.subi %sign3A_82, %sign3A_85 : i32
    %ne3A_87 = vector.broadcast %sign3A_86 : i32 to vector<16xi32>
    %ne3A_88 = arith.cmpi ne, %sign3A_79, %ne3A_87 : vector<16xi32>
    %rem3A_89 = vector.broadcast %jit3A_68 : i32 to vector<16xi32>
    %rem3A_90 = arith.remsi %add3A_67, %rem3A_89 : vector<16xi32>
    %ne3A_91 = arith.constant 0 : i32
    %ne3A_92 = vector.broadcast %ne3A_91 : i32 to vector<16xi32>
    %ne3A_93 = arith.cmpi ne, %rem3A_90, %ne3A_92 : vector<16xi32>
    %and3A_94 = arith.andi %ne3A_88, %ne3A_93 : vector<16xi1>
    %sub3A_95 = arith.constant 1 : i32
    %sub3A_96 = vector.broadcast %sub3A_95 : i32 to vector<16xi32>
    %sub3A_97 = arith.subi %div3A_70, %sub3A_96 : vector<16xi32>
    %select_n3A_98 = arith.select %and3A_94, %sub3A_97, %div3A_70 : vector<16xi1>, vector<16xi32>
    %add3A_99 = arith.constant 48 : i32
    %add3A_100 = vector.broadcast %add3A_99 : i32 to vector<16xi32>
    %add3A_101 = arith.addi %add3A_100, %iota3A : vector<16xi32>
    %jit3A_102 = arith.constant 8 : i32
    %div3A_103 = vector.broadcast %jit3A_102 : i32 to vector<16xi32>
    %div3A_104 = arith.divsi %add3A_101, %div3A_103 : vector<16xi32>
    %sign3A_105 = arith.constant 0 : i32
    %sign3A_106 = vector.broadcast %sign3A_105 : i32 to vector<16xi32>
    %sign3A_107 = arith.cmpi sgt, %add3A_101, %sign3A_106 : vector<16xi32>
    %sign3A_108 = arith.extui %sign3A_107 : vector<16xi1> to vector<16xi32>
    %sign3A_109 = arith.constant 0 : i32
    %sign3A_110 = vector.broadcast %sign3A_109 : i32 to vector<16xi32>
    %sign3A_111 = arith.cmpi slt, %add3A_101, %sign3A_110 : vector<16xi32>
    %sign3A_112 = arith.extui %sign3A_111 : vector<16xi1> to vector<16xi32>
    %sign3A_113 = arith.subi %sign3A_108, %sign3A_112 : vector<16xi32>
    %sign3A_114 = arith.constant 0 : i32
    %sign3A_115 = arith.cmpi sgt, %jit3A_102, %sign3A_114 : i32
    %sign3A_116 = arith.extui %sign3A_115 : i1 to i32
    %sign3A_117 = arith.constant 0 : i32
    %sign3A_118 = arith.cmpi slt, %jit3A_102, %sign3A_117 : i32
    %sign3A_119 = arith.extui %sign3A_118 : i1 to i32
    %sign3A_120 = arith.subi %sign3A_116, %sign3A_119 : i32
    %ne3A_121 = vector.broadcast %sign3A_120 : i32 to vector<16xi32>
    %ne3A_122 = arith.cmpi ne, %sign3A_113, %ne3A_121 : vector<16xi32>
    %rem3A_123 = vector.broadcast %jit3A_102 : i32 to vector<16xi32>
    %rem3A_124 = arith.remsi %add3A_101, %rem3A_123 : vector<16xi32>
    %ne3A_125 = arith.constant 0 : i32
    %ne3A_126 = vector.broadcast %ne3A_125 : i32 to vector<16xi32>
    %ne3A_127 = arith.cmpi ne, %rem3A_124, %ne3A_126 : vector<16xi32>
    %and3A_128 = arith.andi %ne3A_122, %ne3A_127 : vector<16xi1>
    %sub3A_129 = arith.constant 1 : i32
    %sub3A_130 = vector.broadcast %sub3A_129 : i32 to vector<16xi32>
    %sub3A_131 = arith.subi %div3A_104, %sub3A_130 : vector<16xi32>
    %select_n3A_132 = arith.select %and3A_128, %sub3A_131, %div3A_104 : vector<16xi1>, vector<16xi32>
    %add3A_133 = arith.constant 0 : i32
    %add3A_134 = vector.broadcast %add3A_133 : i32 to vector<16xi32>
    %add3A_135 = arith.addi %add3A_134, %iota3A : vector<16xi32>
    %jit3A_136 = arith.constant 8 : i32
    %eq3A = arith.constant 0 : i32
    %eq3A_137 = arith.cmpi eq, %jit3A_136, %eq3A : i32
    %jit3A_138 = arith.constant 1 : i32
    %select_n3A_139 = arith.select %eq3A_137, %jit3A_138, %jit3A_136 : i32
    %rem3A_140 = vector.broadcast %select_n3A_139 : i32 to vector<16xi32>
    %rem3A_141 = arith.remsi %add3A_135, %rem3A_140 : vector<16xi32>
    %ne3A_142 = arith.constant 0 : i32
    %ne3A_143 = vector.broadcast %ne3A_142 : i32 to vector<16xi32>
    %ne3A_144 = arith.cmpi ne, %rem3A_141, %ne3A_143 : vector<16xi32>
    %lt3A = arith.constant 0 : i32
    %lt3A_145 = vector.broadcast %lt3A : i32 to vector<16xi32>
    %lt3A_146 = arith.cmpi slt, %rem3A_141, %lt3A_145 : vector<16xi32>
    %lt3A_147 = arith.constant 0 : i32
    %lt3A_148 = arith.cmpi slt, %select_n3A_139, %lt3A_147 : i32
    %ne3A_149 = vector.broadcast %lt3A_148 : i1 to vector<16xi1>
    %ne3A_150 = vector.broadcast %ne3A_149 : vector<16xi1> to vector<16xi1>
    %ne3A_151 = arith.xori %lt3A_146, %ne3A_150 : vector<16xi1>
    %and3A_152 = arith.andi %ne3A_151, %ne3A_144 : vector<16xi1>
    %add3A_153 = vector.broadcast %select_n3A_139 : i32 to vector<16xi32>
    %add3A_154 = arith.addi %rem3A_141, %add3A_153 : vector<16xi32>
    %select_n3A_155 = arith.select %and3A_152, %add3A_154, %rem3A_141 : vector<16xi1>, vector<16xi32>
    %add3A_156 = arith.constant 16 : i32
    %add3A_157 = vector.broadcast %add3A_156 : i32 to vector<16xi32>
    %add3A_158 = arith.addi %add3A_157, %iota3A : vector<16xi32>
    %jit3A_159 = arith.constant 8 : i32
    %eq3A_160 = arith.constant 0 : i32
    %eq3A_161 = arith.cmpi eq, %jit3A_159, %eq3A_160 : i32
    %jit3A_162 = arith.constant 1 : i32
    %select_n3A_163 = arith.select %eq3A_161, %jit3A_162, %jit3A_159 : i32
    %rem3A_164 = vector.broadcast %select_n3A_163 : i32 to vector<16xi32>
    %rem3A_165 = arith.remsi %add3A_158, %rem3A_164 : vector<16xi32>
    %ne3A_166 = arith.constant 0 : i32
    %ne3A_167 = vector.broadcast %ne3A_166 : i32 to vector<16xi32>
    %ne3A_168 = arith.cmpi ne, %rem3A_165, %ne3A_167 : vector<16xi32>
    %lt3A_169 = arith.constant 0 : i32
    %lt3A_170 = vector.broadcast %lt3A_169 : i32 to vector<16xi32>
    %lt3A_171 = arith.cmpi slt, %rem3A_165, %lt3A_170 : vector<16xi32>
    %lt3A_172 = arith.constant 0 : i32
    %lt3A_173 = arith.cmpi slt, %select_n3A_163, %lt3A_172 : i32
    %ne3A_174 = vector.broadcast %lt3A_173 : i1 to vector<16xi1>
    %ne3A_175 = vector.broadcast %ne3A_174 : vector<16xi1> to vector<16xi1>
    %ne3A_176 = arith.xori %lt3A_171, %ne3A_175 : vector<16xi1>
    %and3A_177 = arith.andi %ne3A_176, %ne3A_168 : vector<16xi1>
    %add3A_178 = vector.broadcast %select_n3A_163 : i32 to vector<16xi32>
    %add3A_179 = arith.addi %rem3A_165, %add3A_178 : vector<16xi32>
    %select_n3A_180 = arith.select %and3A_177, %add3A_179, %rem3A_165 : vector<16xi1>, vector<16xi32>
    %add3A_181 = arith.constant 32 : i32
    %add3A_182 = vector.broadcast %add3A_181 : i32 to vector<16xi32>
    %add3A_183 = arith.addi %add3A_182, %iota3A : vector<16xi32>
    %jit3A_184 = arith.constant 8 : i32
    %eq3A_185 = arith.constant 0 : i32
    %eq3A_186 = arith.cmpi eq, %jit3A_184, %eq3A_185 : i32
    %jit3A_187 = arith.constant 1 : i32
    %select_n3A_188 = arith.select %eq3A_186, %jit3A_187, %jit3A_184 : i32
    %rem3A_189 = vector.broadcast %select_n3A_188 : i32 to vector<16xi32>
    %rem3A_190 = arith.remsi %add3A_183, %rem3A_189 : vector<16xi32>
    %ne3A_191 = arith.constant 0 : i32
    %ne3A_192 = vector.broadcast %ne3A_191 : i32 to vector<16xi32>
    %ne3A_193 = arith.cmpi ne, %rem3A_190, %ne3A_192 : vector<16xi32>
    %lt3A_194 = arith.constant 0 : i32
    %lt3A_195 = vector.broadcast %lt3A_194 : i32 to vector<16xi32>
    %lt3A_196 = arith.cmpi slt, %rem3A_190, %lt3A_195 : vector<16xi32>
    %lt3A_197 = arith.constant 0 : i32
    %lt3A_198 = arith.cmpi slt, %select_n3A_188, %lt3A_197 : i32
    %ne3A_199 = vector.broadcast %lt3A_198 : i1 to vector<16xi1>
    %ne3A_200 = vector.broadcast %ne3A_199 : vector<16xi1> to vector<16xi1>
    %ne3A_201 = arith.xori %lt3A_196, %ne3A_200 : vector<16xi1>
    %and3A_202 = arith.andi %ne3A_201, %ne3A_193 : vector<16xi1>
    %add3A_203 = vector.broadcast %select_n3A_188 : i32 to vector<16xi32>
    %add3A_204 = arith.addi %rem3A_190, %add3A_203 : vector<16xi32>
    %select_n3A_205 = arith.select %and3A_202, %add3A_204, %rem3A_190 : vector<16xi1>, vector<16xi32>
    %add3A_206 = arith.constant 48 : i32
    %add3A_207 = vector.broadcast %add3A_206 : i32 to vector<16xi32>
    %add3A_208 = arith.addi %add3A_207, %iota3A : vector<16xi32>
    %jit3A_209 = arith.constant 8 : i32
    %eq3A_210 = arith.constant 0 : i32
    %eq3A_211 = arith.cmpi eq, %jit3A_209, %eq3A_210 : i32
    %jit3A_212 = arith.constant 1 : i32
    %select_n3A_213 = arith.select %eq3A_211, %jit3A_212, %jit3A_209 : i32
    %rem3A_214 = vector.broadcast %select_n3A_213 : i32 to vector<16xi32>
    %rem3A_215 = arith.remsi %add3A_208, %rem3A_214 : vector<16xi32>
    %ne3A_216 = arith.constant 0 : i32
    %ne3A_217 = vector.broadcast %ne3A_216 : i32 to vector<16xi32>
    %ne3A_218 = arith.cmpi ne, %rem3A_215, %ne3A_217 : vector<16xi32>
    %lt3A_219 = arith.constant 0 : i32
    %lt3A_220 = vector.broadcast %lt3A_219 : i32 to vector<16xi32>
    %lt3A_221 = arith.cmpi slt, %rem3A_215, %lt3A_220 : vector<16xi32>
    %lt3A_222 = arith.constant 0 : i32
    %lt3A_223 = arith.cmpi slt, %select_n3A_213, %lt3A_222 : i32
    %ne3A_224 = vector.broadcast %lt3A_223 : i1 to vector<16xi1>
    %ne3A_225 = vector.broadcast %ne3A_224 : vector<16xi1> to vector<16xi1>
    %ne3A_226 = arith.xori %lt3A_221, %ne3A_225 : vector<16xi1>
    %and3A_227 = arith.andi %ne3A_226, %ne3A_218 : vector<16xi1>
    %add3A_228 = vector.broadcast %select_n3A_213 : i32 to vector<16xi32>
    %add3A_229 = arith.addi %rem3A_215, %add3A_228 : vector<16xi32>
    %select_n3A_230 = arith.select %and3A_227, %add3A_229, %rem3A_215 : vector<16xi1>, vector<16xi32>
    %mul3A_231 = arith.constant 25600 : i32
    %mul3A_232 = arith.muli %add3A, %mul3A_231 : i32
    %dma_start3A = tpu.memref_slice %arg3[%mul3A_232] : memref<819200xi32, #tpu.memory_space<hbm>> -> memref<25600xi32, #tpu.memory_space<hbm>>
    %dma_start3A_233 = tpu.memref_slice %arg3[%mul3A_232] : memref<819200xi32, #tpu.memory_space<hbm>> -> memref<25600xi32, #tpu.memory_space<hbm>>
    tpu.enqueue_dma source(%dma_start3A_233 : memref<25600xi32, #tpu.memory_space<hbm>>) target(%arg5 : memref<25600xi32, #tpu.memory_space<vmem>>) target_semaphore(%arg12 : memref<!tpu.dma_semaphore, #tpu.memory_space<semaphore_mem>>)
    %mul3A_234 = arith.constant 25600 : i32
    %mul3A_235 = arith.muli %add3A, %mul3A_234 : i32
    %dma_wait3A = tpu.memref_slice %arg3[%mul3A_235] : memref<819200xi32, #tpu.memory_space<hbm>> -> memref<25600xi32, #tpu.memory_space<hbm>>
    %dma_wait3A_236 = tpu.memref_slice %arg3[%mul3A_235] : memref<819200xi32, #tpu.memory_space<hbm>> -> memref<25600xi32, #tpu.memory_space<hbm>>
    tpu.wait_dma2 semaphore(%arg12 : memref<!tpu.dma_semaphore, #tpu.memory_space<semaphore_mem>>) src(%dma_wait3A_236 : memref<25600xi32, #tpu.memory_space<hbm>>) dst(%arg5 : memref<25600xi32, #tpu.memory_space<vmem>>)
    %add3A_237 = arith.constant 0 : i32
    %add3A_238 = vector.broadcast %add3A_237 : i32 to vector<16xi32>
    %add3A_239 = arith.addi %mul3A_3, %add3A_238 : vector<16xi32>
    %gather3A = tpu.vector_load_idx %arg5[%add3A_239] : memref<25600xi32, #tpu.memory_space<vmem>>[vector<16xi32>], vector<16xi32>,
    %swap3A = arith.constant 0 : index
    %swap3A_240 = tpu.vector_load %arg6[%swap3A] {strides = array<i32>} : memref<128xi32, #tpu.memory_space<vmem>>, vector<16xi32>,
    tpu.vector_store %arg6[%swap3A], %gather3A {strides = array<i32>} : memref<128xi32, #tpu.memory_space<vmem>>, vector<16xi32>,
    %add3A_241 = arith.constant 800 : i32
    %add3A_242 = vector.broadcast %add3A_241 : i32 to vector<16xi32>
    %add3A_243 = arith.addi %mul3A_3, %add3A_242 : vector<16xi32>
    %gather3A_244 = tpu.vector_load_idx %arg5[%add3A_243] : memref<25600xi32, #tpu.memory_space<vmem>>[vector<16xi32>], vector<16xi32>,
    %swap3A_245 = arith.constant 16 : index
    %swap3A_246 = tpu.vector_load %arg6[%swap3A_245] {strides = array<i32>} : memref<128xi32, #tpu.memory_space<vmem>>, vector<16xi32>,
    tpu.vector_store %arg6[%swap3A_245], %gather3A_244 {strides = array<i32>} : memref<128xi32, #tpu.memory_space<vmem>>, vector<16xi32>,
    %add3A_247 = arith.constant 1600 : i32
    %add3A_248 = vector.broadcast %add3A_247 : i32 to vector<16xi32>
    %add3A_249 = arith.addi %mul3A_3, %add3A_248 : vector<16xi32>
    %gather3A_250 = tpu.vector_load_idx %arg5[%add3A_249] : memref<25600xi32, #tpu.memory_space<vmem>>[vector<16xi32>], vector<16xi32>,
    %swap3A_251 = arith.constant 32 : index
    %swap3A_252 = tpu.vector_load %arg6[%swap3A_251] {strides = array<i32>} : memref<128xi32, #tpu.memory_space<vmem>>, vector<16xi32>,
    tpu.vector_store %arg6[%swap3A_251], %gather3A_250 {strides = array<i32>} : memref<128xi32, #tpu.memory_space<vmem>>, vector<16xi32>,
    %add3A_253 = arith.constant 2400 : i32
    %add3A_254 = vector.broadcast %add3A_253 : i32 to vector<16xi32>
    %add3A_255 = arith.addi %mul3A_3, %add3A_254 : vector<16xi32>
    %gather3A_256 = tpu.vector_load_idx %arg5[%add3A_255] : memref<25600xi32, #tpu.memory_space<vmem>>[vector<16xi32>], vector<16xi32>,
    %swap3A_257 = arith.constant 48 : index
    %swap3A_258 = tpu.vector_load %arg6[%swap3A_257] {strides = array<i32>} : memref<128xi32, #tpu.memory_space<vmem>>, vector<16xi32>,
    tpu.vector_store %arg6[%swap3A_257], %gather3A_256 {strides = array<i32>} : memref<128xi32, #tpu.memory_space<vmem>>, vector<16xi32>,
    %add3A_259 = arith.constant 3200 : i32
    %add3A_260 = vector.broadcast %add3A_259 : i32 to vector<16xi32>
    %add3A_261 = arith.addi %mul3A_3, %add3A_260 : vector<16xi32>
    %gather3A_262 = tpu.vector_load_idx %arg5[%add3A_261] : memref<25600xi32, #tpu.memory_space<vmem>>[vector<16xi32>], vector<16xi32>,
    %swap3A_263 = arith.constant 64 : index
    %swap3A_264 = tpu.vector_load %arg6[%swap3A_263] {strides = array<i32>} : memref<128xi32, #tpu.memory_space<vmem>>, vector<16xi32>,
    tpu.vector_store %arg6[%swap3A_263], %gather3A_262 {strides = array<i32>} : memref<128xi32, #tpu.memory_space<vmem>>, vector<16xi32>,
    %add3A_265 = arith.constant 4000 : i32
    %add3A_266 = vector.broadcast %add3A_265 : i32 to vector<16xi32>
    %add3A_267 = arith.addi %mul3A_3, %add3A_266 : vector<16xi32>
    %gather3A_268 = tpu.vector_load_idx %arg5[%add3A_267] : memref<25600xi32, #tpu.memory_space<vmem>>[vector<16xi32>], vector<16xi32>,
    %swap3A_269 = arith.constant 80 : index
    %swap3A_270 = tpu.vector_load %arg6[%swap3A_269] {strides = array<i32>} : memref<128xi32, #tpu.memory_space<vmem>>, vector<16xi32>,
    tpu.vector_store %arg6[%swap3A_269], %gather3A_268 {strides = array<i32>} : memref<128xi32, #tpu.memory_space<vmem>>, vector<16xi32>,
    %add3A_271 = arith.constant 4800 : i32
    %add3A_272 = vector.broadcast %add3A_271 : i32 to vector<16xi32>
    %add3A_273 = arith.addi %mul3A_3, %add3A_272 : vector<16xi32>
    %gather3A_274 = tpu.vector_load_idx %arg5[%add3A_273] : memref<25600xi32, #tpu.memory_space<vmem>>[vector<16xi32>], vector<16xi32>,
    %swap3A_275 = arith.constant 96 : index
    %swap3A_276 = tpu.vector_load %arg6[%swap3A_275] {strides = array<i32>} : memref<128xi32, #tpu.memory_space<vmem>>, vector<16xi32>,
    tpu.vector_store %arg6[%swap3A_275], %gather3A_274 {strides = array<i32>} : memref<128xi32, #tpu.memory_space<vmem>>, vector<16xi32>,
    %add3A_277 = arith.constant 5600 : i32
    %add3A_278 = vector.broadcast %add3A_277 : i32 to vector<16xi32>
    %add3A_279 = arith.addi %mul3A_3, %add3A_278 : vector<16xi32>
    %gather3A_280 = tpu.vector_load_idx %arg5[%add3A_279] : memref<25600xi32, #tpu.memory_space<vmem>>[vector<16xi32>], vector<16xi32>,
    %swap3A_281 = arith.constant 112 : index
    %swap3A_282 = tpu.vector_load %arg6[%swap3A_281] {strides = array<i32>} : memref<128xi32, #tpu.memory_space<vmem>>, vector<16xi32>,
    tpu.vector_store %arg6[%swap3A_281], %gather3A_280 {strides = array<i32>} : memref<128xi32, #tpu.memory_space<vmem>>, vector<16xi32>,
    %dma_start3A_283 = arith.constant 0 : i32
    %dma_start3A_284 = arith.constant 0 : i32
    %dma_start3A_285 = tpu.memref_slice %arg2[%dma_start3A_283, %dma_start3A_284] : memref<1000000x64xf32, #tpu.memory_space<hbm>> -> memref<1000000x64xf32, #tpu.memory_space<hbm>>
    tpu.enqueue_indirect_dma source(%dma_start3A_285 : memref<1000000x64xf32, #tpu.memory_space<hbm>>) target(%arg8 : memref<128x64xf32, #tpu.memory_space<vmem>>) offsets(%arg6 : memref<128xi32, #tpu.memory_space<vmem>>) semaphore(%arg13 : memref<!tpu.dma_semaphore, #tpu.memory_space<semaphore_mem>>)
    %add3A_286 = arith.constant 1 : i32
    %add3A_287 = vector.broadcast %add3A_286 : i32 to vector<16xi32>
    %add3A_288 = arith.addi %mul3A_3, %add3A_287 : vector<16xi32>
    %gather3A_289 = tpu.vector_load_idx %arg5[%add3A_288] : memref<25600xi32, #tpu.memory_space<vmem>>[vector<16xi32>], vector<16xi32>,
    %swap3A_290 = arith.constant 0 : index
    %swap3A_291 = tpu.vector_load %arg7[%swap3A_290] {strides = array<i32>} : memref<128xi32, #tpu.memory_space<vmem>>, vector<16xi32>,
    tpu.vector_store %arg7[%swap3A_290], %gather3A_289 {strides = array<i32>} : memref<128xi32, #tpu.memory_space<vmem>>, vector<16xi32>,
    %add3A_292 = arith.constant 801 : i32
    %add3A_293 = vector.broadcast %add3A_292 : i32 to vector<16xi32>
    %add3A_294 = arith.addi %mul3A_3, %add3A_293 : vector<16xi32>
    %gather3A_295 = tpu.vector_load_idx %arg5[%add3A_294] : memref<25600xi32, #tpu.memory_space<vmem>>[vector<16xi32>], vector<16xi32>,
    %swap3A_296 = arith.constant 16 : index
    %swap3A_297 = tpu.vector_load %arg7[%swap3A_296] {strides = array<i32>} : memref<128xi32, #tpu.memory_space<vmem>>, vector<16xi32>,
    tpu.vector_store %arg7[%swap3A_296], %gather3A_295 {strides = array<i32>} : memref<128xi32, #tpu.memory_space<vmem>>, vector<16xi32>,
    %add3A_298 = arith.constant 1601 : i32
    %add3A_299 = vector.broadcast %add3A_298 : i32 to vector<16xi32>
    %add3A_300 = arith.addi %mul3A_3, %add3A_299 : vector<16xi32>
    %gather3A_301 = tpu.vector_load_idx %arg5[%add3A_300] : memref<25600xi32, #tpu.memory_space<vmem>>[vector<16xi32>], vector<16xi32>,
    %swap3A_302 = arith.constant 32 : index
    %swap3A_303 = tpu.vector_load %arg7[%swap3A_302] {strides = array<i32>} : memref<128xi32, #tpu.memory_space<vmem>>, vector<16xi32>,
    tpu.vector_store %arg7[%swap3A_302], %gather3A_301 {strides = array<i32>} : memref<128xi32, #tpu.memory_space<vmem>>, vector<16xi32>,
    %add3A_304 = arith.constant 2401 : i32
    %add3A_305 = vector.broadcast %add3A_304 : i32 to vector<16xi32>
    %add3A_306 = arith.addi %mul3A_3, %add3A_305 : vector<16xi32>
    %gather3A_307 = tpu.vector_load_idx %arg5[%add3A_306] : memref<25600xi32, #tpu.memory_space<vmem>>[vector<16xi32>], vector<16xi32>,
    %swap3A_308 = arith.constant 48 : index
    %swap3A_309 = tpu.vector_load %arg7[%swap3A_308] {strides = array<i32>} : memref<128xi32, #tpu.memory_space<vmem>>, vector<16xi32>,
    tpu.vector_store %arg7[%swap3A_308], %gather3A_307 {strides = array<i32>} : memref<128xi32, #tpu.memory_space<vmem>>, vector<16xi32>,
    %add3A_310 = arith.constant 3201 : i32
    %add3A_311 = vector.broadcast %add3A_310 : i32 to vector<16xi32>
    %add3A_312 = arith.addi %mul3A_3, %add3A_311 : vector<16xi32>
    %gather3A_313 = tpu.vector_load_idx %arg5[%add3A_312] : memref<25600xi32, #tpu.memory_space<vmem>>[vector<16xi32>], vector<16xi32>,
    %swap3A_314 = arith.constant 64 : index
    %swap3A_315 = tpu.vector_load %arg7[%swap3A_314] {strides = array<i32>} : memref<128xi32, #tpu.memory_space<vmem>>, vector<16xi32>,
    tpu.vector_store %arg7[%swap3A_314], %gather3A_313 {strides = array<i32>} : memref<128xi32, #tpu.memory_space<vmem>>, vector<16xi32>,
    %add3A_316 = arith.constant 4001 : i32
    %add3A_317 = vector.broadcast %add3A_316 : i32 to vector<16xi32>
    %add3A_318 = arith.addi %mul3A_3, %add3A_317 : vector<16xi32>
    %gather3A_319 = tpu.vector_load_idx %arg5[%add3A_318] : memref<25600xi32, #tpu.memory_space<vmem>>[vector<16xi32>], vector<16xi32>,
    %swap3A_320 = arith.constant 80 : index
    %swap3A_321 = tpu.vector_load %arg7[%swap3A_320] {strides = array<i32>} : memref<128xi32, #tpu.memory_space<vmem>>, vector<16xi32>,
    tpu.vector_store %arg7[%swap3A_320], %gather3A_319 {strides = array<i32>} : memref<128xi32, #tpu.memory_space<vmem>>, vector<16xi32>,
    %add3A_322 = arith.constant 4801 : i32
    %add3A_323 = vector.broadcast %add3A_322 : i32 to vector<16xi32>
    %add3A_324 = arith.addi %mul3A_3, %add3A_323 : vector<16xi32>
    %gather3A_325 = tpu.vector_load_idx %arg5[%add3A_324] : memref<25600xi32, #tpu.memory_space<vmem>>[vector<16xi32>], vector<16xi32>,
    %swap3A_326 = arith.constant 96 : index
    %swap3A_327 = tpu.vector_load %arg7[%swap3A_326] {strides = array<i32>} : memref<128xi32, #tpu.memory_space<vmem>>, vector<16xi32>,
    tpu.vector_store %arg7[%swap3A_326], %gather3A_325 {strides = array<i32>} : memref<128xi32, #tpu.memory_space<vmem>>, vector<16xi32>,
    %add3A_328 = arith.constant 5601 : i32
    %add3A_329 = vector.broadcast %add3A_328 : i32 to vector<16xi32>
    %add3A_330 = arith.addi %mul3A_3, %add3A_329 : vector<16xi32>
    %gather3A_331 = tpu.vector_load_idx %arg5[%add3A_330] : memref<25600xi32, #tpu.memory_space<vmem>>[vector<16xi32>], vector<16xi32>,
    %swap3A_332 = arith.constant 112 : index
    %swap3A_333 = tpu.vector_load %arg7[%swap3A_332] {strides = array<i32>} : memref<128xi32, #tpu.memory_space<vmem>>, vector<16xi32>,
    tpu.vector_store %arg7[%swap3A_332], %gather3A_331 {strides = array<i32>} : memref<128xi32, #tpu.memory_space<vmem>>, vector<16xi32>,
    %dma_start3A_334 = arith.constant 0 : i32
    %dma_start3A_335 = arith.constant 0 : i32
    %dma_start3A_336 = tpu.memref_slice %arg2[%dma_start3A_334, %dma_start3A_335] : memref<1000000x64xf32, #tpu.memory_space<hbm>> -> memref<1000000x64xf32, #tpu.memory_space<hbm>>
    tpu.enqueue_indirect_dma source(%dma_start3A_336 : memref<1000000x64xf32, #tpu.memory_space<hbm>>) target(%arg9 : memref<128x64xf32, #tpu.memory_space<vmem>>) offsets(%arg7 : memref<128xi32, #tpu.memory_space<vmem>>) semaphore(%arg14 : memref<!tpu.dma_semaphore, #tpu.memory_space<semaphore_mem>>)
    %scan3A = arith.constant 0 : i32
    %scan3A_337 = arith.constant 0 : i32
    %scan3A_338 = arith.constant 100 : i32
    %scan3A_339 = arith.addi %scan3A_337, %scan3A_338 : i32
    %scan3A_340 = arith.constant 1 : i32
    scf.for %scan3A_392 = %scan3A_337 to %scan3A_339 step %scan3A_340  : i32 {
      %mul3A_393 = arith.constant 2 : i32
      %mul3A_394 = arith.muli %mul3A_393, %scan3A_392 : i32
      %add3A_395 = arith.constant 0 : i32
      %add3A_396 = arith.addi %mul3A_394, %add3A_395 : i32
      %dma_wait3A_397 = arith.constant 0 : i32
      %dma_wait3A_398 = arith.constant 0 : i32
      %dma_wait3A_399 = tpu.memref_slice %arg2[%dma_wait3A_397, %dma_wait3A_398] : memref<1000000x64xf32, #tpu.memory_space<hbm>> -> memref<1000000x64xf32, #tpu.memory_space<hbm>>
      tpu.wait_indirect_dma semaphore(%arg13 : memref<!tpu.dma_semaphore, #tpu.memory_space<semaphore_mem>>) src(%dma_wait3A_399 : memref<1000000x64xf32, #tpu.memory_space<hbm>>) dst(%arg8 : memref<128x64xf32, #tpu.memory_space<vmem>>)
      %ge3A = arith.constant 2 : i32
      %ge3A_400 = arith.cmpi sge, %add3A_396, %ge3A : i32
      %convert_element_type3A = arith.extui %ge3A_400 : i1 to i32
      %cond3A = arith.constant 0 : i32
      %cond3A_401 = arith.cmpi ne, %convert_element_type3A, %cond3A : i32
      scf.if %cond3A_401 {
        %sub3A_559 = arith.constant 2 : i32
        %sub3A_560 = arith.subi %add3A_396, %sub3A_559 : i32
        %jit3A_561 = arith.constant 50 : i32
        %div3A_562 = arith.divsi %sub3A_560, %jit3A_561 : i32
        %sign3A_563 = arith.constant 0 : i32
        %sign3A_564 = arith.cmpi sgt, %sub3A_560, %sign3A_563 : i32
        %sign3A_565 = arith.extui %sign3A_564 : i1 to i32
        %sign3A_566 = arith.constant 0 : i32
        %sign3A_567 = arith.cmpi slt, %sub3A_560, %sign3A_566 : i32
        %sign3A_568 = arith.extui %sign3A_567 : i1 to i32
        %sign3A_569 = arith.subi %sign3A_565, %sign3A_568 : i32
        %sign3A_570 = arith.constant 0 : i32
        %sign3A_571 = arith.cmpi sgt, %jit3A_561, %sign3A_570 : i32
        %sign3A_572 = arith.extui %sign3A_571 : i1 to i32
        %sign3A_573 = arith.constant 0 : i32
        %sign3A_574 = arith.cmpi slt, %jit3A_561, %sign3A_573 : i32
        %sign3A_575 = arith.extui %sign3A_574 : i1 to i32
        %sign3A_576 = arith.subi %sign3A_572, %sign3A_575 : i32
        %ne3A_577 = arith.cmpi ne, %sign3A_569, %sign3A_576 : i32
        %rem3A_578 = arith.remsi %sub3A_560, %jit3A_561 : i32
        %ne3A_579 = arith.constant 0 : i32
        %ne3A_580 = arith.cmpi ne, %rem3A_578, %ne3A_579 : i32
        %and3A_581 = arith.andi %ne3A_577, %ne3A_580 : i1
        %sub3A_582 = arith.constant 1 : i32
        %sub3A_583 = arith.subi %div3A_562, %sub3A_582 : i32
        %select_n3A_584 = arith.select %and3A_581, %sub3A_583, %div3A_562 : i32
        %jit3A_585 = arith.constant 50 : i32
        %eq3A_586 = arith.constant 0 : i32
        %eq3A_587 = arith.cmpi eq, %jit3A_585, %eq3A_586 : i32
        %jit3A_588 = arith.constant 1 : i32
        %select_n3A_589 = arith.select %eq3A_587, %jit3A_588, %jit3A_585 : i32
        %rem3A_590 = arith.remsi %sub3A_560, %select_n3A_589 : i32
        %ne3A_591 = arith.constant 0 : i32
        %ne3A_592 = arith.cmpi ne, %rem3A_590, %ne3A_591 : i32
        %lt3A_593 = arith.constant 0 : i32
        %lt3A_594 = arith.cmpi slt, %rem3A_590, %lt3A_593 : i32
        %lt3A_595 = arith.constant 0 : i32
        %lt3A_596 = arith.cmpi slt, %select_n3A_589, %lt3A_595 : i32
        %ne3A_597 = arith.xori %lt3A_594, %lt3A_596 : i1
        %and3A_598 = arith.andi %ne3A_597, %ne3A_592 : i1
        %add3A_599 = arith.addi %rem3A_590, %select_n3A_589 : i32
        %select_n3A_600 = arith.select %and3A_598, %add3A_599, %rem3A_590 : i32
        %mul3A_601 = arith.constant 4 : i32
        %mul3A_602 = arith.muli %add3A, %mul3A_601 : i32
        %add3A_603 = arith.addi %mul3A_602, %select_n3A_584 : i32
        %dma_wait3A_604 = arith.constant 0 : i32
        %dma_wait3A_605 = arith.constant 0 : i32
        %dma_wait3A_606 = arith.constant 0 : i32
        %dma_wait3A_607 = arith.constant 0 : i32
        %dma_wait3A_608 = tpu.memref_slice %arg10[%dma_wait3A_604, %dma_wait3A_605, %dma_wait3A_606, %dma_wait3A_607] : memref<8x1x8x136xf32, #tpu.memory_space<vmem>> -> memref<8x1x8x128xf32, #tpu.memory_space<vmem>>
        %dma_wait3A_609 = arith.constant 0 : i32
        %dma_wait3A_610 = arith.constant 0 : i32
        %dma_wait3A_611 = arith.constant 0 : i32
        %dma_wait3A_612 = tpu.memref_slice %arg4[%select_n3A_600, %dma_wait3A_609, %add3A_603, %dma_wait3A_610, %dma_wait3A_611] : memref<50x8x128x8x128xf32, #tpu.memory_space<hbm>> -> memref<1x8x1x8x128xf32, #tpu.memory_space<hbm>>
        %dma_wait3A_613 = tpu.memref_squeeze %dma_wait3A_612 : memref<1x8x1x8x128xf32, #tpu.memory_space<hbm>> -> memref<8x1x8x128xf32, #tpu.memory_space<hbm>>
        %dma_wait3A_614 = arith.constant 0 : i32
        %dma_wait3A_615 = arith.constant 0 : i32
        %dma_wait3A_616 = arith.constant 0 : i32
        %dma_wait3A_617 = tpu.memref_slice %arg4[%select_n3A_600, %dma_wait3A_614, %add3A_603, %dma_wait3A_615, %dma_wait3A_616] : memref<50x8x128x8x128xf32, #tpu.memory_space<hbm>> -> memref<1x8x1x8x128xf32, #tpu.memory_space<hbm>>
        %dma_wait3A_618 = tpu.memref_squeeze %dma_wait3A_617 : memref<1x8x1x8x128xf32, #tpu.memory_space<hbm>> -> memref<8x1x8x128xf32, #tpu.memory_space<hbm>>
        %dma_wait3A_619 = arith.constant 0 : i32
        %dma_wait3A_620 = arith.constant 0 : i32
        %dma_wait3A_621 = arith.constant 0 : i32
        %dma_wait3A_622 = arith.constant 0 : i32
        %dma_wait3A_623 = tpu.memref_slice %arg10[%dma_wait3A_619, %dma_wait3A_620, %dma_wait3A_621, %dma_wait3A_622] : memref<8x1x8x136xf32, #tpu.memory_space<vmem>> -> memref<8x1x8x128xf32, #tpu.memory_space<vmem>>
        tpu.wait_dma2 semaphore(%arg15 : memref<!tpu.dma_semaphore, #tpu.memory_space<semaphore_mem>>) src(%dma_wait3A_623 : memref<8x1x8x128xf32, #tpu.memory_space<vmem>>) dst(%dma_wait3A_618 : memref<8x1x8x128xf32, #tpu.memory_space<hbm>>)
      } else {
      }
      %parallel_loop3A = arith.constant 0 : i32
      %parallel_loop3A_402 = arith.constant 128 : i32
      %parallel_loop3A_403 = arith.constant 1 : i32
      scf.for %parallel_loop3A_559 = %parallel_loop3A to %parallel_loop3A_402 step %parallel_loop3A_403  : i32 {
        %parallel_loop3A_560 = vector.broadcast %parallel_loop3A_559 : i32 to vector<16xi32>
        %parallel_loop3A_561 = arith.addi %broadcast_in_dim3A_4, %parallel_loop3A_560 : vector<16xi32>
        %parallel_loop3A_562 = arith.index_cast %parallel_loop3A_559 : i32 to index
        %parallel_loop3A_563 = arith.constant 0 : index
        %parallel_loop3A_564 = tpu.vector_load %arg8[%parallel_loop3A_562, %parallel_loop3A_563] {strides = array<i32>} : memref<128x64xf32, #tpu.memory_space<vmem>>, vector<16xf32>,
        tpu.vector_store_idx %arg10[%select_n3A, %broadcast_in_dim3A_4, %select_n3A_155, %parallel_loop3A_561], %parallel_loop3A_564 : memref<8x1x8x136xf32, #tpu.memory_space<vmem>>[vector<16xi32>, vector<16xi32>, vector<16xi32>, vector<16xi32>], vector<16xf32>,
        %parallel_loop3A_565 = arith.index_cast %parallel_loop3A_559 : i32 to index
        %parallel_loop3A_566 = arith.constant 16 : index
        %parallel_loop3A_567 = tpu.vector_load %arg8[%parallel_loop3A_565, %parallel_loop3A_566] {strides = array<i32>} : memref<128x64xf32, #tpu.memory_space<vmem>>, vector<16xf32>,
        tpu.vector_store_idx %arg10[%select_n3A_64, %broadcast_in_dim3A_4, %select_n3A_180, %parallel_loop3A_561], %parallel_loop3A_567 : memref<8x1x8x136xf32, #tpu.memory_space<vmem>>[vector<16xi32>, vector<16xi32>, vector<16xi32>, vector<16xi32>], vector<16xf32>,
        %parallel_loop3A_568 = arith.index_cast %parallel_loop3A_559 : i32 to index
        %parallel_loop3A_569 = arith.constant 32 : index
        %parallel_loop3A_570 = tpu.vector_load %arg8[%parallel_loop3A_568, %parallel_loop3A_569] {strides = array<i32>} : memref<128x64xf32, #tpu.memory_space<vmem>>, vector<16xf32>,
        tpu.vector_store_idx %arg10[%select_n3A_98, %broadcast_in_dim3A_4, %select_n3A_205, %parallel_loop3A_561], %parallel_loop3A_570 : memref<8x1x8x136xf32, #tpu.memory_space<vmem>>[vector<16xi32>, vector<16xi32>, vector<16xi32>, vector<16xi32>], vector<16xf32>,
        %parallel_loop3A_571 = arith.index_cast %parallel_loop3A_559 : i32 to index
        %parallel_loop3A_572 = arith.constant 48 : index
        %parallel_loop3A_573 = tpu.vector_load %arg8[%parallel_loop3A_571, %parallel_loop3A_572] {strides = array<i32>} : memref<128x64xf32, #tpu.memory_space<vmem>>, vector<16xf32>,
        tpu.vector_store_idx %arg10[%select_n3A_132, %broadcast_in_dim3A_4, %select_n3A_230, %parallel_loop3A_561], %parallel_loop3A_573 : memref<8x1x8x136xf32, #tpu.memory_space<vmem>>[vector<16xi32>, vector<16xi32>, vector<16xi32>, vector<16xi32>], vector<16xf32>,
      } {sc.loop_unroll_factor = 8 : i64, sc.parallel_access}
      %jit3A_404 = arith.constant 50 : i32
      %div3A_405 = arith.divsi %add3A_396, %jit3A_404 : i32
      %sign3A_406 = arith.constant 0 : i32
      %sign3A_407 = arith.cmpi sgt, %add3A_396, %sign3A_406 : i32
      %sign3A_408 = arith.extui %sign3A_407 : i1 to i32
      %sign3A_409 = arith.constant 0 : i32
      %sign3A_410 = arith.cmpi slt, %add3A_396, %sign3A_409 : i32
      %sign3A_411 = arith.extui %sign3A_410 : i1 to i32
      %sign3A_412 = arith.subi %sign3A_408, %sign3A_411 : i32
      %sign3A_413 = arith.constant 0 : i32
      %sign3A_414 = arith.cmpi sgt, %jit3A_404, %sign3A_413 : i32
      %sign3A_415 = arith.extui %sign3A_414 : i1 to i32
      %sign3A_416 = arith.constant 0 : i32
      %sign3A_417 = arith.cmpi slt, %jit3A_404, %sign3A_416 : i32
      %sign3A_418 = arith.extui %sign3A_417 : i1 to i32
      %sign3A_419 = arith.subi %sign3A_415, %sign3A_418 : i32
      %ne3A_420 = arith.cmpi ne, %sign3A_412, %sign3A_419 : i32
      %rem3A_421 = arith.remsi %add3A_396, %jit3A_404 : i32
      %ne3A_422 = arith.constant 0 : i32
      %ne3A_423 = arith.cmpi ne, %rem3A_421, %ne3A_422 : i32
      %and3A_424 = arith.andi %ne3A_420, %ne3A_423 : i1
      %sub3A_425 = arith.constant 1 : i32
      %sub3A_426 = arith.subi %div3A_405, %sub3A_425 : i32
      %select_n3A_427 = arith.select %and3A_424, %sub3A_426, %div3A_405 : i32
      %jit3A_428 = arith.constant 50 : i32
      %eq3A_429 = arith.constant 0 : i32
      %eq3A_430 = arith.cmpi eq, %jit3A_428, %eq3A_429 : i32
      %jit3A_431 = arith.constant 1 : i32
      %select_n3A_432 = arith.select %eq3A_430, %jit3A_431, %jit3A_428 : i32
      %rem3A_433 = arith.remsi %add3A_396, %select_n3A_432 : i32
      %ne3A_434 = arith.constant 0 : i32
      %ne3A_435 = arith.cmpi ne, %rem3A_433, %ne3A_434 : i32
      %lt3A_436 = arith.constant 0 : i32
      %lt3A_437 = arith.cmpi slt, %rem3A_433, %lt3A_436 : i32
      %lt3A_438 = arith.constant 0 : i32
      %lt3A_439 = arith.cmpi slt, %select_n3A_432, %lt3A_438 : i32
      %ne3A_440 = arith.xori %lt3A_437, %lt3A_439 : i1
      %and3A_441 = arith.andi %ne3A_440, %ne3A_435 : i1
      %add3A_442 = arith.addi %rem3A_433, %select_n3A_432 : i32
      %select_n3A_443 = arith.select %and3A_441, %add3A_442, %rem3A_433 : i32
      %mul3A_444 = arith.constant 4 : i32
      %mul3A_445 = arith.muli %add3A, %mul3A_444 : i32
      %add3A_446 = arith.addi %mul3A_445, %select_n3A_427 : i32
      %dma_start3A_447 = arith.constant 0 : i32
      %dma_start3A_448 = arith.constant 0 : i32
      %dma_start3A_449 = arith.constant 0 : i32
      %dma_start3A_450 = arith.constant 0 : i32
      %dma_start3A_451 = tpu.memref_slice %arg10[%dma_start3A_447, %dma_start3A_448, %dma_start3A_449, %dma_start3A_450] : memref<8x1x8x136xf32, #tpu.memory_space<vmem>> -> memref<8x1x8x128xf32, #tpu.memory_space<vmem>>
      %dma_start3A_452 = arith.constant 0 : i32
      %dma_start3A_453 = arith.constant 0 : i32
      %dma_start3A_454 = arith.constant 0 : i32
      %dma_start3A_455 = tpu.memref_slice %arg4[%select_n3A_443, %dma_start3A_452, %add3A_446, %dma_start3A_453, %dma_start3A_454] : memref<50x8x128x8x128xf32, #tpu.memory_space<hbm>> -> memref<1x8x1x8x128xf32, #tpu.memory_space<hbm>>
      %dma_start3A_456 = tpu.memref_squeeze %dma_start3A_455 : memref<1x8x1x8x128xf32, #tpu.memory_space<hbm>> -> memref<8x1x8x128xf32, #tpu.memory_space<hbm>>
      %dma_start3A_457 = arith.constant 0 : i32
      %dma_start3A_458 = arith.constant 0 : i32
      %dma_start3A_459 = arith.constant 0 : i32
      %dma_start3A_460 = tpu.memref_slice %arg4[%select_n3A_443, %dma_start3A_457, %add3A_446, %dma_start3A_458, %dma_start3A_459] : memref<50x8x128x8x128xf32, #tpu.memory_space<hbm>> -> memref<1x8x1x8x128xf32, #tpu.memory_space<hbm>>
      %dma_start3A_461 = tpu.memref_squeeze %dma_start3A_460 : memref<1x8x1x8x128xf32, #tpu.memory_space<hbm>> -> memref<8x1x8x128xf32, #tpu.memory_space<hbm>>
      %dma_start3A_462 = arith.constant 0 : i32
      %dma_start3A_463 = arith.constant 0 : i32
      %dma_start3A_464 = arith.constant 0 : i32
      %dma_start3A_465 = arith.constant 0 : i32
      %dma_start3A_466 = tpu.memref_slice %arg10[%dma_start3A_462, %dma_start3A_463, %dma_start3A_464, %dma_start3A_465] : memref<8x1x8x136xf32, #tpu.memory_space<vmem>> -> memref<8x1x8x128xf32, #tpu.memory_space<vmem>>
      tpu.enqueue_dma source(%dma_start3A_466 : memref<8x1x8x128xf32, #tpu.memory_space<vmem>>) target(%dma_start3A_461 : memref<8x1x8x128xf32, #tpu.memory_space<hbm>>) target_semaphore(%arg15 : memref<!tpu.dma_semaphore, #tpu.memory_space<semaphore_mem>>)
      %add3A_467 = arith.constant 2 : i32
      %add3A_468 = arith.addi %add3A_396, %add3A_467 : i32
      %lt3A_469 = arith.constant 200 : i32
      %lt3A_470 = arith.cmpi slt, %add3A_468, %lt3A_469 : i32
      %convert_element_type3A_471 = arith.extui %lt3A_470 : i1 to i32
      %cond3A_472 = arith.constant 0 : i32
      %cond3A_473 = arith.cmpi ne, %convert_element_type3A_471, %cond3A_472 : i32
      scf.if %cond3A_473 {
        %add3A_559 = arith.constant 2 : i32
        %add3A_560 = arith.addi %add3A_396, %add3A_559 : i32
        %jit3A_561 = arith.constant 50 : i32
        %div3A_562 = arith.divsi %add3A_560, %jit3A_561 : i32
        %sign3A_563 = arith.constant 0 : i32
        %sign3A_564 = arith.cmpi sgt, %add3A_560, %sign3A_563 : i32
        %sign3A_565 = arith.extui %sign3A_564 : i1 to i32
        %sign3A_566 = arith.constant 0 : i32
        %sign3A_567 = arith.cmpi slt, %add3A_560, %sign3A_566 : i32
        %sign3A_568 = arith.extui %sign3A_567 : i1 to i32
        %sign3A_569 = arith.subi %sign3A_565, %sign3A_568 : i32
        %sign3A_570 = arith.constant 0 : i32
        %sign3A_571 = arith.cmpi sgt, %jit3A_561, %sign3A_570 : i32
        %sign3A_572 = arith.extui %sign3A_571 : i1 to i32
        %sign3A_573 = arith.constant 0 : i32
        %sign3A_574 = arith.cmpi slt, %jit3A_561, %sign3A_573 : i32
        %sign3A_575 = arith.extui %sign3A_574 : i1 to i32
        %sign3A_576 = arith.subi %sign3A_572, %sign3A_575 : i32
        %ne3A_577 = arith.cmpi ne, %sign3A_569, %sign3A_576 : i32
        %rem3A_578 = arith.remsi %add3A_560, %jit3A_561 : i32
        %ne3A_579 = arith.constant 0 : i32
        %ne3A_580 = arith.cmpi ne, %rem3A_578, %ne3A_579 : i32
        %and3A_581 = arith.andi %ne3A_577, %ne3A_580 : i1
        %sub3A_582 = arith.constant 1 : i32
        %sub3A_583 = arith.subi %div3A_562, %sub3A_582 : i32
        %select_n3A_584 = arith.select %and3A_581, %sub3A_583, %div3A_562 : i32
        %jit3A_585 = arith.constant 50 : i32
        %eq3A_586 = arith.constant 0 : i32
        %eq3A_587 = arith.cmpi eq, %jit3A_585, %eq3A_586 : i32
        %jit3A_588 = arith.constant 1 : i32
        %select_n3A_589 = arith.select %eq3A_587, %jit3A_588, %jit3A_585 : i32
        %rem3A_590 = arith.remsi %add3A_560, %select_n3A_589 : i32
        %ne3A_591 = arith.constant 0 : i32
        %ne3A_592 = arith.cmpi ne, %rem3A_590, %ne3A_591 : i32
        %lt3A_593 = arith.constant 0 : i32
        %lt3A_594 = arith.cmpi slt, %rem3A_590, %lt3A_593 : i32
        %lt3A_595 = arith.constant 0 : i32
        %lt3A_596 = arith.cmpi slt, %select_n3A_589, %lt3A_595 : i32
        %ne3A_597 = arith.xori %lt3A_594, %lt3A_596 : i1
        %and3A_598 = arith.andi %ne3A_597, %ne3A_592 : i1
        %add3A_599 = arith.addi %rem3A_590, %select_n3A_589 : i32
        %select_n3A_600 = arith.select %and3A_598, %add3A_599, %rem3A_590 : i32
        %mul3A_601 = arith.constant 6400 : i32
        %mul3A_602 = arith.muli %select_n3A_584, %mul3A_601 : i32
        %add3A_603 = arith.addi %mul3A_602, %select_n3A_600 : i32
        %add3A_604 = arith.constant 0 : i32
        %add3A_605 = arith.addi %add3A_603, %add3A_604 : i32
        %add3A_606 = vector.broadcast %add3A_605 : i32 to vector<16xi32>
        %add3A_607 = arith.addi %mul3A_3, %add3A_606 : vector<16xi32>
        %gather3A_608 = tpu.vector_load_idx %arg5[%add3A_607] : memref<25600xi32, #tpu.memory_space<vmem>>[vector<16xi32>], vector<16xi32>,
        %swap3A_609 = arith.constant 0 : index
        %swap3A_610 = tpu.vector_load %arg6[%swap3A_609] {strides = array<i32>} : memref<128xi32, #tpu.memory_space<vmem>>, vector<16xi32>,
        tpu.vector_store %arg6[%swap3A_609], %gather3A_608 {strides = array<i32>} : memref<128xi32, #tpu.memory_space<vmem>>, vector<16xi32>,
        %add3A_611 = arith.constant 800 : i32
        %add3A_612 = arith.addi %add3A_603, %add3A_611 : i32
        %add3A_613 = vector.broadcast %add3A_612 : i32 to vector<16xi32>
        %add3A_614 = arith.addi %mul3A_3, %add3A_613 : vector<16xi32>
        %gather3A_615 = tpu.vector_load_idx %arg5[%add3A_614] : memref<25600xi32, #tpu.memory_space<vmem>>[vector<16xi32>], vector<16xi32>,
        %swap3A_616 = arith.constant 16 : index
        %swap3A_617 = tpu.vector_load %arg6[%swap3A_616] {strides = array<i32>} : memref<128xi32, #tpu.memory_space<vmem>>, vector<16xi32>,
        tpu.vector_store %arg6[%swap3A_616], %gather3A_615 {strides = array<i32>} : memref<128xi32, #tpu.memory_space<vmem>>, vector<16xi32>,
        %add3A_618 = arith.constant 1600 : i32
        %add3A_619 = arith.addi %add3A_603, %add3A_618 : i32
        %add3A_620 = vector.broadcast %add3A_619 : i32 to vector<16xi32>
        %add3A_621 = arith.addi %mul3A_3, %add3A_620 : vector<16xi32>
        %gather3A_622 = tpu.vector_load_idx %arg5[%add3A_621] : memref<25600xi32, #tpu.memory_space<vmem>>[vector<16xi32>], vector<16xi32>,
        %swap3A_623 = arith.constant 32 : index
        %swap3A_624 = tpu.vector_load %arg6[%swap3A_623] {strides = array<i32>} : memref<128xi32, #tpu.memory_space<vmem>>, vector<16xi32>,
        tpu.vector_store %arg6[%swap3A_623], %gather3A_622 {strides = array<i32>} : memref<128xi32, #tpu.memory_space<vmem>>, vector<16xi32>,
        %add3A_625 = arith.constant 2400 : i32
        %add3A_626 = arith.addi %add3A_603, %add3A_625 : i32
        %add3A_627 = vector.broadcast %add3A_626 : i32 to vector<16xi32>
        %add3A_628 = arith.addi %mul3A_3, %add3A_627 : vector<16xi32>
        %gather3A_629 = tpu.vector_load_idx %arg5[%add3A_628] : memref<25600xi32, #tpu.memory_space<vmem>>[vector<16xi32>], vector<16xi32>,
        %swap3A_630 = arith.constant 48 : index
        %swap3A_631 = tpu.vector_load %arg6[%swap3A_630] {strides = array<i32>} : memref<128xi32, #tpu.memory_space<vmem>>, vector<16xi32>,
        tpu.vector_store %arg6[%swap3A_630], %gather3A_629 {strides = array<i32>} : memref<128xi32, #tpu.memory_space<vmem>>, vector<16xi32>,
        %add3A_632 = arith.constant 3200 : i32
        %add3A_633 = arith.addi %add3A_603, %add3A_632 : i32
        %add3A_634 = vector.broadcast %add3A_633 : i32 to vector<16xi32>
        %add3A_635 = arith.addi %mul3A_3, %add3A_634 : vector<16xi32>
        %gather3A_636 = tpu.vector_load_idx %arg5[%add3A_635] : memref<25600xi32, #tpu.memory_space<vmem>>[vector<16xi32>], vector<16xi32>,
        %swap3A_637 = arith.constant 64 : index
        %swap3A_638 = tpu.vector_load %arg6[%swap3A_637] {strides = array<i32>} : memref<128xi32, #tpu.memory_space<vmem>>, vector<16xi32>,
        tpu.vector_store %arg6[%swap3A_637], %gather3A_636 {strides = array<i32>} : memref<128xi32, #tpu.memory_space<vmem>>, vector<16xi32>,
        %add3A_639 = arith.constant 4000 : i32
        %add3A_640 = arith.addi %add3A_603, %add3A_639 : i32
        %add3A_641 = vector.broadcast %add3A_640 : i32 to vector<16xi32>
        %add3A_642 = arith.addi %mul3A_3, %add3A_641 : vector<16xi32>
        %gather3A_643 = tpu.vector_load_idx %arg5[%add3A_642] : memref<25600xi32, #tpu.memory_space<vmem>>[vector<16xi32>], vector<16xi32>,
        %swap3A_644 = arith.constant 80 : index
        %swap3A_645 = tpu.vector_load %arg6[%swap3A_644] {strides = array<i32>} : memref<128xi32, #tpu.memory_space<vmem>>, vector<16xi32>,
        tpu.vector_store %arg6[%swap3A_644], %gather3A_643 {strides = array<i32>} : memref<128xi32, #tpu.memory_space<vmem>>, vector<16xi32>,
        %add3A_646 = arith.constant 4800 : i32
        %add3A_647 = arith.addi %add3A_603, %add3A_646 : i32
        %add3A_648 = vector.broadcast %add3A_647 : i32 to vector<16xi32>
        %add3A_649 = arith.addi %mul3A_3, %add3A_648 : vector<16xi32>
        %gather3A_650 = tpu.vector_load_idx %arg5[%add3A_649] : memref<25600xi32, #tpu.memory_space<vmem>>[vector<16xi32>], vector<16xi32>,
        %swap3A_651 = arith.constant 96 : index
        %swap3A_652 = tpu.vector_load %arg6[%swap3A_651] {strides = array<i32>} : memref<128xi32, #tpu.memory_space<vmem>>, vector<16xi32>,
        tpu.vector_store %arg6[%swap3A_651], %gather3A_650 {strides = array<i32>} : memref<128xi32, #tpu.memory_space<vmem>>, vector<16xi32>,
        %add3A_653 = arith.constant 5600 : i32
        %add3A_654 = arith.addi %add3A_603, %add3A_653 : i32
        %add3A_655 = vector.broadcast %add3A_654 : i32 to vector<16xi32>
        %add3A_656 = arith.addi %mul3A_3, %add3A_655 : vector<16xi32>
        %gather3A_657 = tpu.vector_load_idx %arg5[%add3A_656] : memref<25600xi32, #tpu.memory_space<vmem>>[vector<16xi32>], vector<16xi32>,
        %swap3A_658 = arith.constant 112 : index
        %swap3A_659 = tpu.vector_load %arg6[%swap3A_658] {strides = array<i32>} : memref<128xi32, #tpu.memory_space<vmem>>, vector<16xi32>,
        tpu.vector_store %arg6[%swap3A_658], %gather3A_657 {strides = array<i32>} : memref<128xi32, #tpu.memory_space<vmem>>, vector<16xi32>,
        %dma_start3A_660 = arith.constant 0 : i32
        %dma_start3A_661 = arith.constant 0 : i32
        %dma_start3A_662 = tpu.memref_slice %arg2[%dma_start3A_660, %dma_start3A_661] : memref<1000000x64xf32, #tpu.memory_space<hbm>> -> memref<1000000x64xf32, #tpu.memory_space<hbm>>
        tpu.enqueue_indirect_dma source(%dma_start3A_662 : memref<1000000x64xf32, #tpu.memory_space<hbm>>) target(%arg8 : memref<128x64xf32, #tpu.memory_space<vmem>>) offsets(%arg6 : memref<128xi32, #tpu.memory_space<vmem>>) semaphore(%arg13 : memref<!tpu.dma_semaphore, #tpu.memory_space<semaphore_mem>>)
      } else {
      }
      %mul3A_474 = arith.constant 2 : i32
      %mul3A_475 = arith.muli %mul3A_474, %scan3A_392 : i32
      %add3A_476 = arith.constant 1 : i32
      %add3A_477 = arith.addi %mul3A_475, %add3A_476 : i32
      %dma_wait3A_478 = arith.constant 0 : i32
      %dma_wait3A_479 = arith.constant 0 : i32
      %dma_wait3A_480 = tpu.memref_slice %arg2[%dma_wait3A_478, %dma_wait3A_479] : memref<1000000x64xf32, #tpu.memory_space<hbm>> -> memref<1000000x64xf32, #tpu.memory_space<hbm>>
      tpu.wait_indirect_dma semaphore(%arg14 : memref<!tpu.dma_semaphore, #tpu.memory_space<semaphore_mem>>) src(%dma_wait3A_480 : memref<1000000x64xf32, #tpu.memory_space<hbm>>) dst(%arg9 : memref<128x64xf32, #tpu.memory_space<vmem>>)
      %ge3A_481 = arith.constant 2 : i32
      %ge3A_482 = arith.cmpi sge, %add3A_477, %ge3A_481 : i32
      %convert_element_type3A_483 = arith.extui %ge3A_482 : i1 to i32
      %cond3A_484 = arith.constant 0 : i32
      %cond3A_485 = arith.cmpi ne, %convert_element_type3A_483, %cond3A_484 : i32
      scf.if %cond3A_485 {
        %sub3A_559 = arith.constant 2 : i32
        %sub3A_560 = arith.subi %add3A_477, %sub3A_559 : i32
        %jit3A_561 = arith.constant 50 : i32
        %div3A_562 = arith.divsi %sub3A_560, %jit3A_561 : i32
        %sign3A_563 = arith.constant 0 : i32
        %sign3A_564 = arith.cmpi sgt, %sub3A_560, %sign3A_563 : i32
        %sign3A_565 = arith.extui %sign3A_564 : i1 to i32
        %sign3A_566 = arith.constant 0 : i32
        %sign3A_567 = arith.cmpi slt, %sub3A_560, %sign3A_566 : i32
        %sign3A_568 = arith.extui %sign3A_567 : i1 to i32
        %sign3A_569 = arith.subi %sign3A_565, %sign3A_568 : i32
        %sign3A_570 = arith.constant 0 : i32
        %sign3A_571 = arith.cmpi sgt, %jit3A_561, %sign3A_570 : i32
        %sign3A_572 = arith.extui %sign3A_571 : i1 to i32
        %sign3A_573 = arith.constant 0 : i32
        %sign3A_574 = arith.cmpi slt, %jit3A_561, %sign3A_573 : i32
        %sign3A_575 = arith.extui %sign3A_574 : i1 to i32
        %sign3A_576 = arith.subi %sign3A_572, %sign3A_575 : i32
        %ne3A_577 = arith.cmpi ne, %sign3A_569, %sign3A_576 : i32
        %rem3A_578 = arith.remsi %sub3A_560, %jit3A_561 : i32
        %ne3A_579 = arith.constant 0 : i32
        %ne3A_580 = arith.cmpi ne, %rem3A_578, %ne3A_579 : i32
        %and3A_581 = arith.andi %ne3A_577, %ne3A_580 : i1
        %sub3A_582 = arith.constant 1 : i32
        %sub3A_583 = arith.subi %div3A_562, %sub3A_582 : i32
        %select_n3A_584 = arith.select %and3A_581, %sub3A_583, %div3A_562 : i32
        %jit3A_585 = arith.constant 50 : i32
        %eq3A_586 = arith.constant 0 : i32
        %eq3A_587 = arith.cmpi eq, %jit3A_585, %eq3A_586 : i32
        %jit3A_588 = arith.constant 1 : i32
        %select_n3A_589 = arith.select %eq3A_587, %jit3A_588, %jit3A_585 : i32
        %rem3A_590 = arith.remsi %sub3A_560, %select_n3A_589 : i32
        %ne3A_591 = arith.constant 0 : i32
        %ne3A_592 = arith.cmpi ne, %rem3A_590, %ne3A_591 : i32
        %lt3A_593 = arith.constant 0 : i32
        %lt3A_594 = arith.cmpi slt, %rem3A_590, %lt3A_593 : i32
        %lt3A_595 = arith.constant 0 : i32
        %lt3A_596 = arith.cmpi slt, %select_n3A_589, %lt3A_595 : i32
        %ne3A_597 = arith.xori %lt3A_594, %lt3A_596 : i1
        %and3A_598 = arith.andi %ne3A_597, %ne3A_592 : i1
        %add3A_599 = arith.addi %rem3A_590, %select_n3A_589 : i32
        %select_n3A_600 = arith.select %and3A_598, %add3A_599, %rem3A_590 : i32
        %mul3A_601 = arith.constant 4 : i32
        %mul3A_602 = arith.muli %add3A, %mul3A_601 : i32
        %add3A_603 = arith.addi %mul3A_602, %select_n3A_584 : i32
        %dma_wait3A_604 = arith.constant 0 : i32
        %dma_wait3A_605 = arith.constant 0 : i32
        %dma_wait3A_606 = arith.constant 0 : i32
        %dma_wait3A_607 = arith.constant 0 : i32
        %dma_wait3A_608 = tpu.memref_slice %arg11[%dma_wait3A_604, %dma_wait3A_605, %dma_wait3A_606, %dma_wait3A_607] : memref<8x1x8x136xf32, #tpu.memory_space<vmem>> -> memref<8x1x8x128xf32, #tpu.memory_space<vmem>>
        %dma_wait3A_609 = arith.constant 0 : i32
        %dma_wait3A_610 = arith.constant 0 : i32
        %dma_wait3A_611 = arith.constant 0 : i32
        %dma_wait3A_612 = tpu.memref_slice %arg4[%select_n3A_600, %dma_wait3A_609, %add3A_603, %dma_wait3A_610, %dma_wait3A_611] : memref<50x8x128x8x128xf32, #tpu.memory_space<hbm>> -> memref<1x8x1x8x128xf32, #tpu.memory_space<hbm>>
        %dma_wait3A_613 = tpu.memref_squeeze %dma_wait3A_612 : memref<1x8x1x8x128xf32, #tpu.memory_space<hbm>> -> memref<8x1x8x128xf32, #tpu.memory_space<hbm>>
        %dma_wait3A_614 = arith.constant 0 : i32
        %dma_wait3A_615 = arith.constant 0 : i32
        %dma_wait3A_616 = arith.constant 0 : i32
        %dma_wait3A_617 = tpu.memref_slice %arg4[%select_n3A_600, %dma_wait3A_614, %add3A_603, %dma_wait3A_615, %dma_wait3A_616] : memref<50x8x128x8x128xf32, #tpu.memory_space<hbm>> -> memref<1x8x1x8x128xf32, #tpu.memory_space<hbm>>
        %dma_wait3A_618 = tpu.memref_squeeze %dma_wait3A_617 : memref<1x8x1x8x128xf32, #tpu.memory_space<hbm>> -> memref<8x1x8x128xf32, #tpu.memory_space<hbm>>
        %dma_wait3A_619 = arith.constant 0 : i32
        %dma_wait3A_620 = arith.constant 0 : i32
        %dma_wait3A_621 = arith.constant 0 : i32
        %dma_wait3A_622 = arith.constant 0 : i32
        %dma_wait3A_623 = tpu.memref_slice %arg11[%dma_wait3A_619, %dma_wait3A_620, %dma_wait3A_621, %dma_wait3A_622] : memref<8x1x8x136xf32, #tpu.memory_space<vmem>> -> memref<8x1x8x128xf32, #tpu.memory_space<vmem>>
        tpu.wait_dma2 semaphore(%arg16 : memref<!tpu.dma_semaphore, #tpu.memory_space<semaphore_mem>>) src(%dma_wait3A_623 : memref<8x1x8x128xf32, #tpu.memory_space<vmem>>) dst(%dma_wait3A_618 : memref<8x1x8x128xf32, #tpu.memory_space<hbm>>)
      } else {
      }
      %parallel_loop3A_486 = arith.constant 0 : i32
      %parallel_loop3A_487 = arith.constant 128 : i32
      %parallel_loop3A_488 = arith.constant 1 : i32
      scf.for %parallel_loop3A_559 = %parallel_loop3A_486 to %parallel_loop3A_487 step %parallel_loop3A_488  : i32 {
        %parallel_loop3A_560 = vector.broadcast %parallel_loop3A_559 : i32 to vector<16xi32>
        %parallel_loop3A_561 = arith.addi %broadcast_in_dim3A_4, %parallel_loop3A_560 : vector<16xi32>
        %parallel_loop3A_562 = arith.index_cast %parallel_loop3A_559 : i32 to index
        %parallel_loop3A_563 = arith.constant 0 : index
        %parallel_loop3A_564 = tpu.vector_load %arg9[%parallel_loop3A_562, %parallel_loop3A_563] {strides = array<i32>} : memref<128x64xf32, #tpu.memory_space<vmem>>, vector<16xf32>,
        tpu.vector_store_idx %arg11[%select_n3A, %broadcast_in_dim3A_4, %select_n3A_155, %parallel_loop3A_561], %parallel_loop3A_564 : memref<8x1x8x136xf32, #tpu.memory_space<vmem>>[vector<16xi32>, vector<16xi32>, vector<16xi32>, vector<16xi32>], vector<16xf32>,
        %parallel_loop3A_565 = arith.index_cast %parallel_loop3A_559 : i32 to index
        %parallel_loop3A_566 = arith.constant 16 : index
        %parallel_loop3A_567 = tpu.vector_load %arg9[%parallel_loop3A_565, %parallel_loop3A_566] {strides = array<i32>} : memref<128x64xf32, #tpu.memory_space<vmem>>, vector<16xf32>,
        tpu.vector_store_idx %arg11[%select_n3A_64, %broadcast_in_dim3A_4, %select_n3A_180, %parallel_loop3A_561], %parallel_loop3A_567 : memref<8x1x8x136xf32, #tpu.memory_space<vmem>>[vector<16xi32>, vector<16xi32>, vector<16xi32>, vector<16xi32>], vector<16xf32>,
        %parallel_loop3A_568 = arith.index_cast %parallel_loop3A_559 : i32 to index
        %parallel_loop3A_569 = arith.constant 32 : index
        %parallel_loop3A_570 = tpu.vector_load %arg9[%parallel_loop3A_568, %parallel_loop3A_569] {strides = array<i32>} : memref<128x64xf32, #tpu.memory_space<vmem>>, vector<16xf32>,
        tpu.vector_store_idx %arg11[%select_n3A_98, %broadcast_in_dim3A_4, %select_n3A_205, %parallel_loop3A_561], %parallel_loop3A_570 : memref<8x1x8x136xf32, #tpu.memory_space<vmem>>[vector<16xi32>, vector<16xi32>, vector<16xi32>, vector<16xi32>], vector<16xf32>,
        %parallel_loop3A_571 = arith.index_cast %parallel_loop3A_559 : i32 to index
        %parallel_loop3A_572 = arith.constant 48 : index
        %parallel_loop3A_573 = tpu.vector_load %arg9[%parallel_loop3A_571, %parallel_loop3A_572] {strides = array<i32>} : memref<128x64xf32, #tpu.memory_space<vmem>>, vector<16xf32>,
        tpu.vector_store_idx %arg11[%select_n3A_132, %broadcast_in_dim3A_4, %select_n3A_230, %parallel_loop3A_561], %parallel_loop3A_573 : memref<8x1x8x136xf32, #tpu.memory_space<vmem>>[vector<16xi32>, vector<16xi32>, vector<16xi32>, vector<16xi32>], vector<16xf32>,
      } {sc.loop_unroll_factor = 8 : i64, sc.parallel_access}
      %jit3A_489 = arith.constant 50 : i32
      %div3A_490 = arith.divsi %add3A_477, %jit3A_489 : i32
      %sign3A_491 = arith.constant 0 : i32
      %sign3A_492 = arith.cmpi sgt, %add3A_477, %sign3A_491 : i32
      %sign3A_493 = arith.extui %sign3A_492 : i1 to i32
      %sign3A_494 = arith.constant 0 : i32
      %sign3A_495 = arith.cmpi slt, %add3A_477, %sign3A_494 : i32
      %sign3A_496 = arith.extui %sign3A_495 : i1 to i32
      %sign3A_497 = arith.subi %sign3A_493, %sign3A_496 : i32
      %sign3A_498 = arith.constant 0 : i32
      %sign3A_499 = arith.cmpi sgt, %jit3A_489, %sign3A_498 : i32
      %sign3A_500 = arith.extui %sign3A_499 : i1 to i32
      %sign3A_501 = arith.constant 0 : i32
      %sign3A_502 = arith.cmpi slt, %jit3A_489, %sign3A_501 : i32
      %sign3A_503 = arith.extui %sign3A_502 : i1 to i32
      %sign3A_504 = arith.subi %sign3A_500, %sign3A_503 : i32
      %ne3A_505 = arith.cmpi ne, %sign3A_497, %sign3A_504 : i32
      %rem3A_506 = arith.remsi %add3A_477, %jit3A_489 : i32
      %ne3A_507 = arith.constant 0 : i32
      %ne3A_508 = arith.cmpi ne, %rem3A_506, %ne3A_507 : i32
      %and3A_509 = arith.andi %ne3A_505, %ne3A_508 : i1
      %sub3A_510 = arith.constant 1 : i32
      %sub3A_511 = arith.subi %div3A_490, %sub3A_510 : i32
      %select_n3A_512 = arith.select %and3A_509, %sub3A_511, %div3A_490 : i32
      %jit3A_513 = arith.constant 50 : i32
      %eq3A_514 = arith.constant 0 : i32
      %eq3A_515 = arith.cmpi eq, %jit3A_513, %eq3A_514 : i32
      %jit3A_516 = arith.constant 1 : i32
      %select_n3A_517 = arith.select %eq3A_515, %jit3A_516, %jit3A_513 : i32
      %rem3A_518 = arith.remsi %add3A_477, %select_n3A_517 : i32
      %ne3A_519 = arith.constant 0 : i32
      %ne3A_520 = arith.cmpi ne, %rem3A_518, %ne3A_519 : i32
      %lt3A_521 = arith.constant 0 : i32
      %lt3A_522 = arith.cmpi slt, %rem3A_518, %lt3A_521 : i32
      %lt3A_523 = arith.constant 0 : i32
      %lt3A_524 = arith.cmpi slt, %select_n3A_517, %lt3A_523 : i32
      %ne3A_525 = arith.xori %lt3A_522, %lt3A_524 : i1
      %and3A_526 = arith.andi %ne3A_525, %ne3A_520 : i1
      %add3A_527 = arith.addi %rem3A_518, %select_n3A_517 : i32
      %select_n3A_528 = arith.select %and3A_526, %add3A_527, %rem3A_518 : i32
      %mul3A_529 = arith.constant 4 : i32
      %mul3A_530 = arith.muli %add3A, %mul3A_529 : i32
      %add3A_531 = arith.addi %mul3A_530, %select_n3A_512 : i32
      %dma_start3A_532 = arith.constant 0 : i32
      %dma_start3A_533 = arith.constant 0 : i32
      %dma_start3A_534 = arith.constant 0 : i32
      %dma_start3A_535 = arith.constant 0 : i32
      %dma_start3A_536 = tpu.memref_slice %arg11[%dma_start3A_532, %dma_start3A_533, %dma_start3A_534, %dma_start3A_535] : memref<8x1x8x136xf32, #tpu.memory_space<vmem>> -> memref<8x1x8x128xf32, #tpu.memory_space<vmem>>
      %dma_start3A_537 = arith.constant 0 : i32
      %dma_start3A_538 = arith.constant 0 : i32
      %dma_start3A_539 = arith.constant 0 : i32
      %dma_start3A_540 = tpu.memref_slice %arg4[%select_n3A_528, %dma_start3A_537, %add3A_531, %dma_start3A_538, %dma_start3A_539] : memref<50x8x128x8x128xf32, #tpu.memory_space<hbm>> -> memref<1x8x1x8x128xf32, #tpu.memory_space<hbm>>
      %dma_start3A_541 = tpu.memref_squeeze %dma_start3A_540 : memref<1x8x1x8x128xf32, #tpu.memory_space<hbm>> -> memref<8x1x8x128xf32, #tpu.memory_space<hbm>>
      %dma_start3A_542 = arith.constant 0 : i32
      %dma_start3A_543 = arith.constant 0 : i32
      %dma_start3A_544 = arith.constant 0 : i32
      %dma_start3A_545 = tpu.memref_slice %arg4[%select_n3A_528, %dma_start3A_542, %add3A_531, %dma_start3A_543, %dma_start3A_544] : memref<50x8x128x8x128xf32, #tpu.memory_space<hbm>> -> memref<1x8x1x8x128xf32, #tpu.memory_space<hbm>>
      %dma_start3A_546 = tpu.memref_squeeze %dma_start3A_545 : memref<1x8x1x8x128xf32, #tpu.memory_space<hbm>> -> memref<8x1x8x128xf32, #tpu.memory_space<hbm>>
      %dma_start3A_547 = arith.constant 0 : i32
      %dma_start3A_548 = arith.constant 0 : i32
      %dma_start3A_549 = arith.constant 0 : i32
      %dma_start3A_550 = arith.constant 0 : i32
      %dma_start3A_551 = tpu.memref_slice %arg11[%dma_start3A_547, %dma_start3A_548, %dma_start3A_549, %dma_start3A_550] : memref<8x1x8x136xf32, #tpu.memory_space<vmem>> -> memref<8x1x8x128xf32, #tpu.memory_space<vmem>>
      tpu.enqueue_dma source(%dma_start3A_551 : memref<8x1x8x128xf32, #tpu.memory_space<vmem>>) target(%dma_start3A_546 : memref<8x1x8x128xf32, #tpu.memory_space<hbm>>) target_semaphore(%arg16 : memref<!tpu.dma_semaphore, #tpu.memory_space<semaphore_mem>>)
      %add3A_552 = arith.constant 2 : i32
      %add3A_553 = arith.addi %add3A_477, %add3A_552 : i32
      %lt3A_554 = arith.constant 200 : i32
      %lt3A_555 = arith.cmpi slt, %add3A_553, %lt3A_554 : i32
      %convert_element_type3A_556 = arith.extui %lt3A_555 : i1 to i32
      %cond3A_557 = arith.constant 0 : i32
      %cond3A_558 = arith.cmpi ne, %convert_element_type3A_556, %cond3A_557 : i32
      scf.if %cond3A_558 {
        %add3A_559 = arith.constant 2 : i32
        %add3A_560 = arith.addi %add3A_477, %add3A_559 : i32
        %jit3A_561 = arith.constant 50 : i32
        %div3A_562 = arith.divsi %add3A_560, %jit3A_561 : i32
        %sign3A_563 = arith.constant 0 : i32
        %sign3A_564 = arith.cmpi sgt, %add3A_560, %sign3A_563 : i32
        %sign3A_565 = arith.extui %sign3A_564 : i1 to i32
        %sign3A_566 = arith.constant 0 : i32
        %sign3A_567 = arith.cmpi slt, %add3A_560, %sign3A_566 : i32
        %sign3A_568 = arith.extui %sign3A_567 : i1 to i32
        %sign3A_569 = arith.subi %sign3A_565, %sign3A_568 : i32
        %sign3A_570 = arith.constant 0 : i32
        %sign3A_571 = arith.cmpi sgt, %jit3A_561, %sign3A_570 : i32
        %sign3A_572 = arith.extui %sign3A_571 : i1 to i32
        %sign3A_573 = arith.constant 0 : i32
        %sign3A_574 = arith.cmpi slt, %jit3A_561, %sign3A_573 : i32
        %sign3A_575 = arith.extui %sign3A_574 : i1 to i32
        %sign3A_576 = arith.subi %sign3A_572, %sign3A_575 : i32
        %ne3A_577 = arith.cmpi ne, %sign3A_569, %sign3A_576 : i32
        %rem3A_578 = arith.remsi %add3A_560, %jit3A_561 : i32
        %ne3A_579 = arith.constant 0 : i32
        %ne3A_580 = arith.cmpi ne, %rem3A_578, %ne3A_579 : i32
        %and3A_581 = arith.andi %ne3A_577, %ne3A_580 : i1
        %sub3A_582 = arith.constant 1 : i32
        %sub3A_583 = arith.subi %div3A_562, %sub3A_582 : i32
        %select_n3A_584 = arith.select %and3A_581, %sub3A_583, %div3A_562 : i32
        %jit3A_585 = arith.constant 50 : i32
        %eq3A_586 = arith.constant 0 : i32
        %eq3A_587 = arith.cmpi eq, %jit3A_585, %eq3A_586 : i32
        %jit3A_588 = arith.constant 1 : i32
        %select_n3A_589 = arith.select %eq3A_587, %jit3A_588, %jit3A_585 : i32
        %rem3A_590 = arith.remsi %add3A_560, %select_n3A_589 : i32
        %ne3A_591 = arith.constant 0 : i32
        %ne3A_592 = arith.cmpi ne, %rem3A_590, %ne3A_591 : i32
        %lt3A_593 = arith.constant 0 : i32
        %lt3A_594 = arith.cmpi slt, %rem3A_590, %lt3A_593 : i32
        %lt3A_595 = arith.constant 0 : i32
        %lt3A_596 = arith.cmpi slt, %select_n3A_589, %lt3A_595 : i32
        %ne3A_597 = arith.xori %lt3A_594, %lt3A_596 : i1
        %and3A_598 = arith.andi %ne3A_597, %ne3A_592 : i1
        %add3A_599 = arith.addi %rem3A_590, %select_n3A_589 : i32
        %select_n3A_600 = arith.select %and3A_598, %add3A_599, %rem3A_590 : i32
        %mul3A_601 = arith.constant 6400 : i32
        %mul3A_602 = arith.muli %select_n3A_584, %mul3A_601 : i32
        %add3A_603 = arith.addi %mul3A_602, %select_n3A_600 : i32
        %add3A_604 = arith.constant 0 : i32
        %add3A_605 = arith.addi %add3A_603, %add3A_604 : i32
        %add3A_606 = vector.broadcast %add3A_605 : i32 to vector<16xi32>
        %add3A_607 = arith.addi %mul3A_3, %add3A_606 : vector<16xi32>
        %gather3A_608 = tpu.vector_load_idx %arg5[%add3A_607] : memref<25600xi32, #tpu.memory_space<vmem>>[vector<16xi32>], vector<16xi32>,
        %swap3A_609 = arith.constant 0 : index
        %swap3A_610 = tpu.vector_load %arg7[%swap3A_609] {strides = array<i32>} : memref<128xi32, #tpu.memory_space<vmem>>, vector<16xi32>,
        tpu.vector_store %arg7[%swap3A_609], %gather3A_608 {strides = array<i32>} : memref<128xi32, #tpu.memory_space<vmem>>, vector<16xi32>,
        %add3A_611 = arith.constant 800 : i32
        %add3A_612 = arith.addi %add3A_603, %add3A_611 : i32
        %add3A_613 = vector.broadcast %add3A_612 : i32 to vector<16xi32>
        %add3A_614 = arith.addi %mul3A_3, %add3A_613 : vector<16xi32>
        %gather3A_615 = tpu.vector_load_idx %arg5[%add3A_614] : memref<25600xi32, #tpu.memory_space<vmem>>[vector<16xi32>], vector<16xi32>,
        %swap3A_616 = arith.constant 16 : index
        %swap3A_617 = tpu.vector_load %arg7[%swap3A_616] {strides = array<i32>} : memref<128xi32, #tpu.memory_space<vmem>>, vector<16xi32>,
        tpu.vector_store %arg7[%swap3A_616], %gather3A_615 {strides = array<i32>} : memref<128xi32, #tpu.memory_space<vmem>>, vector<16xi32>,
        %add3A_618 = arith.constant 1600 : i32
        %add3A_619 = arith.addi %add3A_603, %add3A_618 : i32
        %add3A_620 = vector.broadcast %add3A_619 : i32 to vector<16xi32>
        %add3A_621 = arith.addi %mul3A_3, %add3A_620 : vector<16xi32>
        %gather3A_622 = tpu.vector_load_idx %arg5[%add3A_621] : memref<25600xi32, #tpu.memory_space<vmem>>[vector<16xi32>], vector<16xi32>,
        %swap3A_623 = arith.constant 32 : index
        %swap3A_624 = tpu.vector_load %arg7[%swap3A_623] {strides = array<i32>} : memref<128xi32, #tpu.memory_space<vmem>>, vector<16xi32>,
        tpu.vector_store %arg7[%swap3A_623], %gather3A_622 {strides = array<i32>} : memref<128xi32, #tpu.memory_space<vmem>>, vector<16xi32>,
        %add3A_625 = arith.constant 2400 : i32
        %add3A_626 = arith.addi %add3A_603, %add3A_625 : i32
        %add3A_627 = vector.broadcast %add3A_626 : i32 to vector<16xi32>
        %add3A_628 = arith.addi %mul3A_3, %add3A_627 : vector<16xi32>
        %gather3A_629 = tpu.vector_load_idx %arg5[%add3A_628] : memref<25600xi32, #tpu.memory_space<vmem>>[vector<16xi32>], vector<16xi32>,
        %swap3A_630 = arith.constant 48 : index
        %swap3A_631 = tpu.vector_load %arg7[%swap3A_630] {strides = array<i32>} : memref<128xi32, #tpu.memory_space<vmem>>, vector<16xi32>,
        tpu.vector_store %arg7[%swap3A_630], %gather3A_629 {strides = array<i32>} : memref<128xi32, #tpu.memory_space<vmem>>, vector<16xi32>,
        %add3A_632 = arith.constant 3200 : i32
        %add3A_633 = arith.addi %add3A_603, %add3A_632 : i32
        %add3A_634 = vector.broadcast %add3A_633 : i32 to vector<16xi32>
        %add3A_635 = arith.addi %mul3A_3, %add3A_634 : vector<16xi32>
        %gather3A_636 = tpu.vector_load_idx %arg5[%add3A_635] : memref<25600xi32, #tpu.memory_space<vmem>>[vector<16xi32>], vector<16xi32>,
        %swap3A_637 = arith.constant 64 : index
        %swap3A_638 = tpu.vector_load %arg7[%swap3A_637] {strides = array<i32>} : memref<128xi32, #tpu.memory_space<vmem>>, vector<16xi32>,
        tpu.vector_store %arg7[%swap3A_637], %gather3A_636 {strides = array<i32>} : memref<128xi32, #tpu.memory_space<vmem>>, vector<16xi32>,
        %add3A_639 = arith.constant 4000 : i32
        %add3A_640 = arith.addi %add3A_603, %add3A_639 : i32
        %add3A_641 = vector.broadcast %add3A_640 : i32 to vector<16xi32>
        %add3A_642 = arith.addi %mul3A_3, %add3A_641 : vector<16xi32>
        %gather3A_643 = tpu.vector_load_idx %arg5[%add3A_642] : memref<25600xi32, #tpu.memory_space<vmem>>[vector<16xi32>], vector<16xi32>,
        %swap3A_644 = arith.constant 80 : index
        %swap3A_645 = tpu.vector_load %arg7[%swap3A_644] {strides = array<i32>} : memref<128xi32, #tpu.memory_space<vmem>>, vector<16xi32>,
        tpu.vector_store %arg7[%swap3A_644], %gather3A_643 {strides = array<i32>} : memref<128xi32, #tpu.memory_space<vmem>>, vector<16xi32>,
        %add3A_646 = arith.constant 4800 : i32
        %add3A_647 = arith.addi %add3A_603, %add3A_646 : i32
        %add3A_648 = vector.broadcast %add3A_647 : i32 to vector<16xi32>
        %add3A_649 = arith.addi %mul3A_3, %add3A_648 : vector<16xi32>
        %gather3A_650 = tpu.vector_load_idx %arg5[%add3A_649] : memref<25600xi32, #tpu.memory_space<vmem>>[vector<16xi32>], vector<16xi32>,
        %swap3A_651 = arith.constant 96 : index
        %swap3A_652 = tpu.vector_load %arg7[%swap3A_651] {strides = array<i32>} : memref<128xi32, #tpu.memory_space<vmem>>, vector<16xi32>,
        tpu.vector_store %arg7[%swap3A_651], %gather3A_650 {strides = array<i32>} : memref<128xi32, #tpu.memory_space<vmem>>, vector<16xi32>,
        %add3A_653 = arith.constant 5600 : i32
        %add3A_654 = arith.addi %add3A_603, %add3A_653 : i32
        %add3A_655 = vector.broadcast %add3A_654 : i32 to vector<16xi32>
        %add3A_656 = arith.addi %mul3A_3, %add3A_655 : vector<16xi32>
        %gather3A_657 = tpu.vector_load_idx %arg5[%add3A_656] : memref<25600xi32, #tpu.memory_space<vmem>>[vector<16xi32>], vector<16xi32>,
        %swap3A_658 = arith.constant 112 : index
        %swap3A_659 = tpu.vector_load %arg7[%swap3A_658] {strides = array<i32>} : memref<128xi32, #tpu.memory_space<vmem>>, vector<16xi32>,
        tpu.vector_store %arg7[%swap3A_658], %gather3A_657 {strides = array<i32>} : memref<128xi32, #tpu.memory_space<vmem>>, vector<16xi32>,
        %dma_start3A_660 = arith.constant 0 : i32
        %dma_start3A_661 = arith.constant 0 : i32
        %dma_start3A_662 = tpu.memref_slice %arg2[%dma_start3A_660, %dma_start3A_661] : memref<1000000x64xf32, #tpu.memory_space<hbm>> -> memref<1000000x64xf32, #tpu.memory_space<hbm>>
        tpu.enqueue_indirect_dma source(%dma_start3A_662 : memref<1000000x64xf32, #tpu.memory_space<hbm>>) target(%arg9 : memref<128x64xf32, #tpu.memory_space<vmem>>) offsets(%arg7 : memref<128xi32, #tpu.memory_space<vmem>>) semaphore(%arg14 : memref<!tpu.dma_semaphore, #tpu.memory_space<semaphore_mem>>)
      } else {
      }
    }
    %scan3A_341 = arith.constant 100 : i32
    %mul3A_342 = arith.constant 4 : i32
    %mul3A_343 = arith.muli %add3A, %mul3A_342 : i32
    %add3A_344 = arith.constant 3 : i32
    %add3A_345 = arith.addi %mul3A_343, %add3A_344 : i32
    %dma_wait3A_346 = arith.constant 48 : i32
    %dma_wait3A_347 = arith.constant 0 : i32
    %dma_wait3A_348 = arith.constant 0 : i32
    %dma_wait3A_349 = arith.constant 0 : i32
    %dma_wait3A_350 = arith.constant 0 : i32
    %dma_wait3A_351 = tpu.memref_slice %arg10[%dma_wait3A_347, %dma_wait3A_348, %dma_wait3A_349, %dma_wait3A_350] : memref<8x1x8x136xf32, #tpu.memory_space<vmem>> -> memref<8x1x8x128xf32, #tpu.memory_space<vmem>>
    %dma_wait3A_352 = arith.constant 0 : i32
    %dma_wait3A_353 = arith.constant 0 : i32
    %dma_wait3A_354 = arith.constant 0 : i32
    %dma_wait3A_355 = tpu.memref_slice %arg4[%dma_wait3A_346, %dma_wait3A_352, %add3A_345, %dma_wait3A_353, %dma_wait3A_354] : memref<50x8x128x8x128xf32, #tpu.memory_space<hbm>> -> memref<1x8x1x8x128xf32, #tpu.memory_space<hbm>>
    %dma_wait3A_356 = tpu.memref_squeeze %dma_wait3A_355 : memref<1x8x1x8x128xf32, #tpu.memory_space<hbm>> -> memref<8x1x8x128xf32, #tpu.memory_space<hbm>>
    %dma_wait3A_357 = arith.constant 0 : i32
    %dma_wait3A_358 = arith.constant 0 : i32
    %dma_wait3A_359 = arith.constant 0 : i32
    %dma_wait3A_360 = tpu.memref_slice %arg4[%dma_wait3A_346, %dma_wait3A_357, %add3A_345, %dma_wait3A_358, %dma_wait3A_359] : memref<50x8x128x8x128xf32, #tpu.memory_space<hbm>> -> memref<1x8x1x8x128xf32, #tpu.memory_space<hbm>>
    %dma_wait3A_361 = tpu.memref_squeeze %dma_wait3A_360 : memref<1x8x1x8x128xf32, #tpu.memory_space<hbm>> -> memref<8x1x8x128xf32, #tpu.memory_space<hbm>>
    %dma_wait3A_362 = arith.constant 0 : i32
    %dma_wait3A_363 = arith.constant 0 : i32
    %dma_wait3A_364 = arith.constant 0 : i32
    %dma_wait3A_365 = arith.constant 0 : i32
    %dma_wait3A_366 = tpu.memref_slice %arg10[%dma_wait3A_362, %dma_wait3A_363, %dma_wait3A_364, %dma_wait3A_365] : memref<8x1x8x136xf32, #tpu.memory_space<vmem>> -> memref<8x1x8x128xf32, #tpu.memory_space<vmem>>
    tpu.wait_dma2 semaphore(%arg15 : memref<!tpu.dma_semaphore, #tpu.memory_space<semaphore_mem>>) src(%dma_wait3A_366 : memref<8x1x8x128xf32, #tpu.memory_space<vmem>>) dst(%dma_wait3A_361 : memref<8x1x8x128xf32, #tpu.memory_space<hbm>>)
    %mul3A_367 = arith.constant 4 : i32
    %mul3A_368 = arith.muli %add3A, %mul3A_367 : i32
    %add3A_369 = arith.constant 3 : i32
    %add3A_370 = arith.addi %mul3A_368, %add3A_369 : i32
    %dma_wait3A_371 = arith.constant 49 : i32
    %dma_wait3A_372 = arith.constant 0 : i32
    %dma_wait3A_373 = arith.constant 0 : i32
    %dma_wait3A_374 = arith.constant 0 : i32
    %dma_wait3A_375 = arith.constant 0 : i32
    %dma_wait3A_376 = tpu.memref_slice %arg11[%dma_wait3A_372, %dma_wait3A_373, %dma_wait3A_374, %dma_wait3A_375] : memref<8x1x8x136xf32, #tpu.memory_space<vmem>> -> memref<8x1x8x128xf32, #tpu.memory_space<vmem>>
    %dma_wait3A_377 = arith.constant 0 : i32
    %dma_wait3A_378 = arith.constant 0 : i32
    %dma_wait3A_379 = arith.constant 0 : i32
    %dma_wait3A_380 = tpu.memref_slice %arg4[%dma_wait3A_371, %dma_wait3A_377, %add3A_370, %dma_wait3A_378, %dma_wait3A_379] : memref<50x8x128x8x128xf32, #tpu.memory_space<hbm>> -> memref<1x8x1x8x128xf32, #tpu.memory_space<hbm>>
    %dma_wait3A_381 = tpu.memref_squeeze %dma_wait3A_380 : memref<1x8x1x8x128xf32, #tpu.memory_space<hbm>> -> memref<8x1x8x128xf32, #tpu.memory_space<hbm>>
    %dma_wait3A_382 = arith.constant 0 : i32
    %dma_wait3A_383 = arith.constant 0 : i32
    %dma_wait3A_384 = arith.constant 0 : i32
    %dma_wait3A_385 = tpu.memref_slice %arg4[%dma_wait3A_371, %dma_wait3A_382, %add3A_370, %dma_wait3A_383, %dma_wait3A_384] : memref<50x8x128x8x128xf32, #tpu.memory_space<hbm>> -> memref<1x8x1x8x128xf32, #tpu.memory_space<hbm>>
    %dma_wait3A_386 = tpu.memref_squeeze %dma_wait3A_385 : memref<1x8x1x8x128xf32, #tpu.memory_space<hbm>> -> memref<8x1x8x128xf32, #tpu.memory_space<hbm>>
    %dma_wait3A_387 = arith.constant 0 : i32
    %dma_wait3A_388 = arith.constant 0 : i32
    %dma_wait3A_389 = arith.constant 0 : i32
    %dma_wait3A_390 = arith.constant 0 : i32
    %dma_wait3A_391 = tpu.memref_slice %arg11[%dma_wait3A_387, %dma_wait3A_388, %dma_wait3A_389, %dma_wait3A_390] : memref<8x1x8x136xf32, #tpu.memory_space<vmem>> -> memref<8x1x8x128xf32, #tpu.memory_space<vmem>>
    tpu.wait_dma2 semaphore(%arg16 : memref<!tpu.dma_semaphore, #tpu.memory_space<semaphore_mem>>) src(%dma_wait3A_391 : memref<8x1x8x128xf32, #tpu.memory_space<vmem>>) dst(%dma_wait3A_386 : memref<8x1x8x128xf32, #tpu.memory_space<hbm>>)
    return
  }
}

</mosaic_0001>

<sc_bundles>
// kernel: kernel.3.cloned.1.call-start
scs
__scs_entry_jumppad:
0x0: {  	(pc) =	sbr.rel $0x88, $3  }
0x1: {  	(tag) =	ssettag $0x0;
	lr =	simm.s32 $0x1  }
0x2: {  	[smem:$0x3F9F] =	sst lr;
	_ =	strace $0xD0000000  }
0x3: {  	_ = 	snop  }
0x4: {  	_ = 	snop  }
0x5: {  	_ = 	snop  }
0x6: {  	_ = 	snop  }
0x7: {  	_ = 	snop  }
__scs_overlays_trampoline_lowered:
0x8: {  	[smem:$0x3FAE] =	sst s0  }
0x9: {  	[smem:$0x3FAF] =	sst s1  }
0xa: {  	[smem:$0x3FB0] =	sst s2  }
0xb: {  	[smem:$0x3FB1] =	sst s3  }
0xc: {  	[smem:$0x3FB2] =	sst s4  }
0xd: {  	[smem:$0x3FB3] =	sst s5  }
0xe: {  	[smem:$0x3FB4] =	sst s6  }
0xf: {  	[smem:$0x3FB5] =	sst s7  }
0x10: {  	[smem:$0x3FB6] =	sst s8  }
0x11: {  	[smem:$0x3FB7] =	sst s9;
	s0 =	simm.s32 @!p0 $0x0  }
0x12: {  	s1 =	sld [smem:$0x3F9D];
	s0 =	simm.s32 @p0 $0x1  }
0x13: {  	[smem:$0x3FB8] =	sst s0;
	s0 =	simm.s32 @!p1 $0x0  }
0x14: {  	s2 =	sld [smem:$0x3F9C];
	s0 =	simm.s32 @p1 $0x1  }
0x15: {  	[smem:$0x3FB9] =	sst s0;
	s0 =	simm.s32 @!p2 $0x0  }
0x16: {  	s3 =	sld [smem:$0x3FDB];
	s0 =	simm.s32 @p2 $0x1  }
0x17: {  	s4 =	simm.s32 $0x1BF5;
	[smem:$0x3FBB] =	sst s0  }
0x18: {  	s0 =	sld [smem:$0x3F9E];
	_ =	swait.ge [sflag:s4], $0x0  }
0x19: {  	s7 =	sld [smem:$0x3F9F]  }
0x1a: {  	s8 =	sadd.s32 $0xFFFFE003, lr  }
0x1b: {  	s9 =	sadd.s32 $0xFFFFFEF7, lr;
	s5 =	simm.s32 $0xFFFFFFFF;
	p2 =	slt.u32 s8, $0xFFFFF086  }
0x1c: {  	p1 =	slt.u32 s9, $0xF7A;
	s5 =	simm.s32 @!p2 $0x0  }
0x1d: {  	s5 =	simm.s32 @p1 $0x1;
	p0 =	seq.s32 s7, s2  }
0x1e: {  	s7 =	smul.u32 @!p0 $0xF7A, s2;
	p2 =	seq.s32 @!p0 s5, $0x0  }
0x1f: {  	s9 =	smul.u32 $0xF7A, s1;
	s8 =	simm.s32 @!p0 $0x1BF5;
	p2 =	por !p2, p0  }
0x20: {  	[sflag:s8] =	ssyncset.s32 @!p0 $0xFFFFF086;
	s6 =	sadd.s32 @!p0 s3, s7;
	s7 =	simm.s32 @!p0 $0x108  }
0x21: {  	s3 =	sadd.s32 s3, s9;
	s6 =	sadd.s32 @!p0 $0x88, s6;
	s7 =	simm.s32 @p2 $0x1082  }
0x22: {  	[simem:s7], [sflag:s8] =	dma.local @!p0 [hbm:s6], $0xF7A  }
0x23: {  	s9 =	sor.u32 $0xD0000000, s2;
	s6 =	simm.s32 $0x108;
	_ =	swait.ge @!p0 [sflag:s8], $0x0  }
0x24: {  	s3 =	sadd.s32 $0x88, s3;
	s6 =	simm.s32 @!p1 $0x1082;
	[sflag:s4] =	ssyncset.s32 $0xFFFFF086  }
0x25: {  	[simem:s6], [sflag:s4] =	dma.local [hbm:s3], $0xF7A  }
0x26: {  	[smem:$0x3F9F] =	sst s1;
	(tag) =	ssettag s2;
	_ =	strace s9  }
0x27: {  	s1 =	sld [smem:$0x3FAF]  }
0x28: {  	s2 =	sld [smem:$0x3FB0]  }
0x29: {  	s4 =	sld [smem:$0x3FB2]  }
0x2a: {  	p0 =	seq.s32 s5, $0x0;
	s5 =	sld [smem:$0x3FB3]  }
0x2b: {  	s6 =	sld [smem:$0x3FB4]  }
0x2c: {  	s7 =	sld [smem:$0x3FB5]  }
0x2d: {  	s3 =	simm.s32 $0x108;
	s8 =	sld [smem:$0x3FB6]  }
0x2e: {  	s3 =	simm.s32 @!p0 $0x1082;
	s9 =	sld [smem:$0x3FB7]  }
0x2f: {  	lr =	sadd.s32 s0, s3;
	s0 =	sld [smem:$0x3FAE]  }
0x30: {  	s3 =	sld [smem:$0x3FB1]  }
0x31: {  	[smem:$0x3FBA] =	sst s10  }
0x32: {  	s10 =	sld [smem:$0x3FB8];
	_ =	sdelay $0x3  }
0x33: {  	p0 =	seq.s32 s10, $0x1;
	s10 =	sld [smem:$0x3FBA];
	_ =	sdelay $0x3  }
0x34: {  	[smem:$0x3FBA] =	sst s10  }
0x35: {  	s10 =	sld [smem:$0x3FB9];
	_ =	sdelay $0x3  }
0x36: {  	p1 =	seq.s32 s10, $0x1;
	s10 =	sld [smem:$0x3FBA];
	_ =	sdelay $0x3  }
0x37: {  	[smem:$0x3FBA] =	sst s10  }
0x38: {  	s10 =	sld [smem:$0x3FBB]  }
0x39: {  	_ = 	snop;
	(pc) =	sbr.ind lr, $3  }
0x3a: {  	_ = 	snop  }
0x3b: {  	_ = 	snop  }
0x3c: {  	p2 =	seq.s32 s10, $0x1;
	s10 =	sld [smem:$0x3FBA]  }
0x3d: {  	_ =	shalt  }
0x3e: {  	_ =	shalt  }
0x3f: {  	_ =	shalt  }
0x40: {  	_ =	shalt  }
0x41: {  	_ =	shalt  }
0x42: {  	_ =	shalt  }
0x43: {  	_ =	shalt  }
0x44: {  	_ =	shalt  }
0x45: {  	_ =	shalt  }
0x46: {  	_ =	shalt  }
0x47: {  	_ =	shalt  }
0x48: {  	_ =	shalt  }
0x49: {  	_ =	shalt  }
0x4a: {  	_ =	shalt  }
0x4b: {  	_ =	shalt  }
0x4c: {  	_ =	shalt  }
0x4d: {  	_ =	shalt  }
0x4e: {  	_ =	shalt  }
0x4f: {  	_ =	shalt  }
0x50: {  	_ =	shalt  }
0x51: {  	_ =	shalt  }
0x52: {  	_ =	shalt  }
0x53: {  	_ =	shalt  }
0x54: {  	_ =	shalt  }
0x55: {  	_ =	shalt  }
0x56: {  	_ =	shalt  }
0x57: {  	_ =	shalt  }
0x58: {  	_ =	shalt  }
0x59: {  	_ =	shalt  }
0x5a: {  	_ =	shalt  }
0x5b: {  	_ =	shalt  }
0x5c: {  	_ =	shalt  }
0x5d: {  	_ =	shalt  }
0x5e: {  	_ =	shalt  }
0x5f: {  	_ =	shalt  }
0x60: {  	_ =	shalt  }
0x61: {  	_ =	shalt  }
0x62: {  	_ =	shalt  }
0x63: {  	_ =	shalt  }
0x64: {  	_ =	shalt  }
0x65: {  	_ =	shalt  }
0x66: {  	_ =	shalt  }
0x67: {  	_ =	shalt  }
0x68: {  	_ =	shalt  }
0x69: {  	_ =	shalt  }
0x6a: {  	_ =	shalt  }
0x6b: {  	_ =	shalt  }
0x6c: {  	_ =	shalt  }
0x6d: {  	_ =	shalt  }
0x6e: {  	_ =	shalt  }
0x6f: {  	_ =	shalt  }
0x70: {  	_ =	shalt  }
0x71: {  	_ =	shalt  }
0x72: {  	_ =	shalt  }
0x73: {  	_ =	shalt  }
0x74: {  	_ =	shalt  }
0x75: {  	_ =	shalt  }
0x76: {  	_ =	shalt  }
0x77: {  	_ =	shalt  }
0x78: {  	_ =	shalt  }
0x79: {  	_ =	shalt  }
0x7a: {  	_ =	shalt  }
0x7b: {  	_ =	shalt  }
0x7c: {  	_ =	shalt  }
0x7d: {  	_ =	shalt  }
0x7e: {  	_ =	shalt  }
0x7f: {  	_ =	shalt  }
0x80: {  	_ =	shalt  }
0x81: {  	_ =	shalt  }
0x82: {  	_ =	shalt  }
0x83: {  	_ =	shalt  }
0x84: {  	_ =	shalt  }
0x85: {  	_ =	shalt  }
0x86: {  	_ =	shalt  }
0x87: {  	_ =	shalt  }
.Lfunc_end0:
.L_simem_size_0:
called_computation_lowered:
.L_overlay_start_0:
0x88: {  	s2 =	sld [smem:$0x3FD9]  }
0x89: {  	s3 =	sld [smem:$0x3FFE];
	_ =	sdelay $0x1  }
0x8a: {  	s1 =	srdreg.scid  }
0x8b: {  	s0 =	sand.u32 $0x1, s1  }
0x8c: {  	s17 =	sshll.u32 s0, $0xA;
	s2 =	sadd.s32 s3, s2  }
0x8d: {  	s2 =	sadd.s32 s2, s17  }
0x8e: {  	[smem:$0x3FC6] =	sst s2  }
0x8f: {  	_ = 	snop  }
0x90: {  	s2 =	sld [smem:$0x3FD0];
	(tm) =	ssettm $0x1  }
0x91: {  	s18 =	sld [smem:$0x3FFB];
	_ =	sdelay $0x3  }
0x92: {  	_ =	strace s18  }
0x93: {  	s3 =	sld [smem:$0x3FFC];
	_ =	sdelay $0x3  }
0x94: {  	_ =	strace s3  }
0x95: {  	s3 =	sld [smem:$0x3FFD];
	_ =	sdelay $0x3  }
0x96: {  	_ =	strace s3  }
0x97: {  	_ =	strace $0x8FFFFFFF  }
0x98: {  	s19 =	sld [smem:$0x3FDB];
	_ =	sdelay $0x1  }
0x99: {  	s4 =	simm.s32 $_scs_section_size  }
0x9a: {  	s5 =	simm.s32 $_size__tile_overlayer_lowered;
	s6 =	simm.s32 $_tile_overlayer_lowered  }
0x9b: {  	s22 =	simm.s32 $0x1BFF;
	s21 =	sshll.u32 s6, $0x1;
	s3 =	sadd.s32 s4, s19  }
0x9c: {  	s7 =	simm.s32 $0x0;
	s20 =	sshll.u32 s5, $0x1;
	s5 =	sadd.s32 s21, s3  }
0x9d: {  	[timem:s7], [sflag:s22] =	dma.local [hbm:s5], s20  }
0x9e: {  	_ =	swait.ge [sflag:s22], s20  }
0x9f: {  	s4 =	ssub.s32 $0x0, s20;
	[sflag:s22] =	ssyncset.done $0x0  }
0xa0: {  	[sflag:s22] =	ssyncadd.s32 s4;
	_ =	sdelay $0x1  }
0xa1: {  	s23 =	simm.s32 $0x1B8B  }
0xa2: {  	_ =	swait.ge [sflag:s23], $0x1  }
0xa3: {  	[sflag:s23] =	ssyncset.done $0x0  }
0xa4: {  	s25 =	simm.s32 $0x1B8E;
	s24 =	sld [smem:$0x3FFE];
	[sflag:s23] =	ssyncadd.s32 $0xFFFFFFFF  }
0xa5: {  	s26 =	simm.s32 $execute0_lowered;
	[smem:$0x3FD2] =	sst s25  }
0xa6: {  	s5 =	sshll.u32 s26, $0x1;
	_ =	strace $0x80000046;
	[dreg:$0x1] =	wrdreg $0xFFFFFFFF  }
0xa7: {  	s28 =	simm.s32 $_size_execute0_lowered;
	s3 =	sadd.s32 s3, s5;
	[dreg:$0x0] =	wrdreg $0x0  }
0xa8: {  	s5 =	sshll.u32 s28, $0x1;
	[dreg:$0x2] =	wrdreg s3  }
0xa9: {  	[dreg:$0x3] =	wrdreg s5  }
0xaa: {  	[dreg:$0x4] =	wrdreg $0xC0  }
0xab: {  	_ =	task [dreg:s7], $0x5FFFF  }
0xac: {  	[dreg:$0x1] =	wrdreg $0xFFFFFFFF  }
0xad: {  	[dreg:$0x0] =	wrdreg $0x60  }
0xae: {  	[dreg:$0x2] =	wrdreg s24  }
0xaf: {  	[dreg:$0x3] =	wrdreg s2  }
0xb0: {  	[dreg:$0x4] =	wrdreg $0x9  }
0xb1: {  	_ =	task.clear_ibuf [dreg:s7], $0x5FFFF;
	_ =	strace $0x90000046  }
0xb2: {  	s29 =	simm.s32 $0x9;
	_ =	strace $0x80000048  }
0xb3: {  	_ =	swait.ge [sflag:s29], $0x1  }
0xb4: {  	[sflag:s29] =	ssyncadd.s32 $0xFFFFFFFF  }
0xb5: {  	_ =	strace $0x90000048  }
0xb6: {  	_ =	sfence  }
0xb7: {  	s30 =	sld [smem:$0x0];
	_ =	sdelay $0x2  }
0xb8: {  	s31 =	sshll.u32 s1, $0xD;
	s1 =	sshrl.u32 s1, $0x2  }
0xb9: {  	s3 =	sand.u32 $0x4000, s31;
	s1 =	sadd.s32 s1, s30  }
0xba: {  	s0 =	sor.u32 s3, s0;
	s1 =	sshll.u32 s1, $0x11  }
0xbb: {  	s0 =	sor.u32 s1, s0  }
0xbc: {  	s0 =	sadd.s32 $0x8F2B, s0  }
0xbd: {  	[sflag:s0] =	ssyncadd.remote.s32 $0x1  }
0xbe: {  	_ =	sfence.sel $0xFFFF  }
0xbf: {  	[dreg:$0x0] =	wrdreg $0xFFFFFFFF;
	(pc) =	sbr.abs _section_cstart, $3  }
0xc0: {  	[dreg:$0x1] =	wrdreg $0xFFFFFFFF  }
0xc1: {  	_ =	task.clear_ibuf [dreg:s7], $0x2FFFF;
	_ =	strace $0x9FFFFFFF  }
0xc2: {  	(tm) =	ssettm $0x7FFFFFFF  }
0xc3: {  	_ =	shalt  }
tec
execute0_lowered:
.L_overlay_start_1:
0x0: {  	(tag) =	ssettag $0x1  }
0x1: {  	v1 =	vlaneseq.u32  }
0x2: {  	v0 =	vmul.u32 $0x32, v1  }
0x3: {  	vm0 =	vcmask $0x300;
	v14 =	vmul.u32 $0x88, v1  }
0x4: {  	v2 =	vadd.s32 $0x320, v0;
	v1 =	vadd.s32 $0x12C1, v0;
	v16 =	vadd.s32 $0x15E1, v0  }
0x5: {  	v18 =	vadd.s32 $0x880, v14;
	v19 =	vadd.s32 $0x1100, v14;
	v20 =	vadd.s32 $0x1980, v14;
	[tilespmem:$0x1FF20] =	vst v2  }
0x6: {  	v21 =	vor.u32 $0x1, v14;
	v22 =	vadd.s32 $0x881, v14;
	v2 =	vadd.s32 $0x640, v0;
	[tilespmem:$0x1FFF0] =	vst v1  }
0x7: {  	v23 =	vadd.s32 $0x1101, v14;
	v24 =	vadd.s32 $0x1981, v14;
	[tilespmem:$0x1FF30] =	vst v2;
	v2 =	vadd.s32 $0x960, v0  }
0x8: {  	s4 =	rddreg [dreg:$0x0];
	s1 =	srdreg.scid;
	v25 =	vor.u32 $0x2, v14;
	v26 =	vadd.s32 $0x882, v14;
	[tilespmem:$0x1FF40] =	vst v2;
	v2 =	vadd.s32 $0xC80, v0  }
0x9: {  	s0 =	stileid.u32;
	s6 =	rddreg [dreg:$0x1];
	s2 =	simm.s32 $0x0;
	v27 =	vadd.s32 $0x1102, v14;
	v28 =	vadd.s32 $0x1982, v14;
	[tilespmem:$0x1FF50] =	vst v2;
	v2 =	vadd.s32 $0xFA0, v0  }
0xa: {  	s9 =	simm.s32 $0x6400;
	s10 =	simm.s32 $0x6500;
	s11 =	simm.s32 $0x6480;
	v29 =	vor.u32 $0x3, v14;
	v30 =	vadd.s32 $0x883, v14;
	[tilespmem:$0x1FF60] =	vst v2;
	v2 =	vadd.s32 $0x12C0, v0  }
0xb: {  	s12 =	simm.s32 $0x8500;
	s13 =	simm.s32 $0x2;
	s14 =	simm.s32 $0xA500;
	v31 =	vadd.s32 $0x1103, v14;
	v32 =	vadd.s32 $0x1983, v14;
	[tilespmem:$0x1FF70] =	vst v2;
	v2 =	vadd.s32 $0x15E0, v0  }
0xc: {  	s15 =	simm.s32 $0x3;
	s3 =	sand.u32 $0x1, s1;
	s5 =	sshll.u32 s0, $0x1;
	v33 =	vor.u32 $0x4, v14;
	v34 =	vadd.s32 $0x884, v14;
	[tilespmem:$0x1FF80] =	vst v2;
	v2 =	vor.u32 $0x1, v0  }
0xd: {  	s16 =	simm.s32 $0xC700;
	s17 =	simm.s32 $0x4;
	s5 =	sor.u32 s3, s5;
	v35 =	vadd.s32 $0x1104, v14;
	v36 =	vadd.s32 $0x1984, v14;
	[tilespmem:$0x1FF90] =	vst v2;
	v2 =	vadd.s32 $0x321, v0  }
0xe: {  	s18 =	simm.s32 $0x5;
	s1 =	rddreg [dreg:$0x2];
	s7 =	smul.u32 $0xC80, s5;
	v37 =	vor.u32 $0x5, v14;
	v38 =	vadd.s32 $0x885, v14;
	[tilespmem:$0x1FFA0] =	vst v2;
	v2 =	vadd.s32 $0x641, v0  }
.Ltmp0:
0xf: {  	s19 =	simm.s32 $0x0;
	[smem:$0x7FF] =	sst s2;
	v39 =	vadd.s32 $0x1105, v14;
	v40 =	vadd.s32 $0x1985, v14;
	[tilespmem:$0x1FFB0] =	vst v2;
	v2 =	vadd.s32 $0x961, v0;
	(pc) =	sbr.rel .LBB2_1-.Ltmp0, $4  }
0x10: {  	s8 =	ssub.s32 $0x2, s3;
	s3 =	sadd.s32 $0xF42A00, s4;
	s31 =	sshll.u32 s5, $0x9;
	v41 =	vor.u32 $0x6, v14;
	v42 =	vadd.s32 $0x886, v14;
	[tilespmem:$0x1FFC0] =	vst v2;
	v2 =	vadd.s32 $0xC81, v0  }
0x11: {  	s30 =	sshrl.u32 s8, $0x1;
	v43 =	vadd.s32 $0x1106, v14;
	v44 =	vadd.s32 $0x1986, v14;
	s6 =	sadd.s32 s6, s31;
	s4 =	sadd.s32 s7, s4;
	[tilespmem:$0x1FFD0] =	vst v2;
	v2 =	vadd.s32 $0xFA1, v0  }
0x12: {  	v45 =	vor.u32 $0x7, v14;
	v46 =	vadd.s32 $0x887, v14;
	v1 =	vimm.s32 $0x0;
	s7 =	ssub.s32 s8, s30;
	s8 =	simm.s32 $0x80;
	s4 =	sadd.s32 $0x600, s4;
	[tilespmem:$0x1FFE0] =	vst v2  }
0x13: {  	v47 =	vadd.s32 $0x1107, v14;
	v48 =	vadd.s32 $0x1987, v14;
	v17 =	vsel vm0, $0x3, v1;
	s5 =	smax.u32 s7, $0x1;
	s7 =	simm.s32 $0x1;
	_ =	strace $0x80000047  }
.LBB2_12:
0x14: {  	s19 =	sadd.s32 $0x1, s19  }
0x15: {  	_ =	swait.ge [sflag:s17], $0x2000;
	p0 =	sne.s32 s19, s5  }
.Ltmp1:
0x16: {  	[sflag:s17] =	ssyncset.done $0x0;
	(pc) =	sbr.rel @!p0 .LBB2_13-.Ltmp1, $4  }
0x17: {  	[sflag:s17] =	ssyncadd.s32 $0xFFFFE000  }
0x18: {  	_ =	swait.ge [sflag:s18], $0x2000  }
0x19: {  	[sflag:s18] =	ssyncset.done $0x0  }
0x1a: {  	[sflag:s18] =	ssyncadd.s32 $0xFFFFE000  }
.LBB2_1:
0x1b: {  	[tilespmem:s2], [sflag:$0x1] =	stream.linear.gather [hbm4b:s4+s2], $0x6400, $0x38;
	[tilespmem:$0xE900] =	vst v63  }
0x1c: {  	_ =	swait.ge [sflag:s7], $0x6400  }
0x1d: {  	[sflag:s7] =	ssyncset.done $0x0  }
0x1e: {  	[sflag:s7] =	ssyncadd.s32 $0xFFFF9C00  }
0x1f: {  	v1 =	vld.idx.msk [tilespmem:v0+s2+$0x0], $0xffff;
	_ =	sdelay $0x4  }
0x20: {  	[tilespmem:$0x6400] =	vst v1;
	v1 =	vld [tilespmem:$0x1FF20];
	_ =	sdelay $0x7  }
0x21: {  	v1 =	vld.idx.msk [tilespmem:v1+s2+$0x0], $0xffff;
	_ =	sdelay $0x4  }
0x22: {  	[tilespmem:$0x6410] =	vst v1;
	v1 =	vld [tilespmem:$0x1FF30];
	_ =	sdelay $0x7  }
0x23: {  	v1 =	vld.idx.msk [tilespmem:v1+s2+$0x0], $0xffff;
	_ =	sdelay $0x4  }
0x24: {  	[tilespmem:$0x6420] =	vst v1;
	v1 =	vld [tilespmem:$0x1FF40];
	_ =	sdelay $0x7  }
0x25: {  	v1 =	vld.idx.msk [tilespmem:v1+s2+$0x0], $0xffff;
	_ =	sdelay $0x4  }
0x26: {  	[tilespmem:$0x6430] =	vst v1;
	v1 =	vld [tilespmem:$0x1FF50];
	_ =	sdelay $0x7  }
0x27: {  	v1 =	vld.idx.msk [tilespmem:v1+s2+$0x0], $0xffff;
	_ =	sdelay $0x4  }
0x28: {  	[tilespmem:$0x6440] =	vst v1;
	v1 =	vld [tilespmem:$0x1FF60];
	_ =	sdelay $0x7  }
0x29: {  	v1 =	vld.idx.msk [tilespmem:v1+s2+$0x0], $0xffff;
	_ =	sdelay $0x4  }
0x2a: {  	[tilespmem:$0x6450] =	vst v1;
	v1 =	vld [tilespmem:$0x1FF70];
	_ =	sdelay $0x7  }
0x2b: {  	v1 =	vld.idx.msk [tilespmem:v1+s2+$0x0], $0xffff;
	_ =	sdelay $0x4  }
0x2c: {  	[tilespmem:$0x6460] =	vst v1;
	v1 =	vld [tilespmem:$0x1FF80];
	_ =	sdelay $0x7  }
0x2d: {  	v1 =	vld.idx.msk [tilespmem:v1+s2+$0x0], $0xffff;
	_ =	sdelay $0x4  }
0x2e: {  	[tilespmem:$0x6470] =	vst v1;
	v1 =	vld [tilespmem:$0x1FF90];
	_ =	sdelay $0x6  }
0x2f: {  	[tilespmem:s10], [sflag:$0x2] =	stream.indirect.gather [hbm4b:s3+s8], $0x40, s9, s8, $0xb8;
	[tilespmem:$0xE900] =	vst v63  }
0x30: {  	v1 =	vld.idx.msk [tilespmem:v1+s2+$0x0], $0xffff;
	_ =	sdelay $0x4  }
0x31: {  	[tilespmem:$0x6480] =	vst v1;
	v1 =	vld [tilespmem:$0x1FFA0];
	_ =	sdelay $0x7  }
0x32: {  	v1 =	vld.idx.msk [tilespmem:v1+s2+$0x0], $0xffff;
	_ =	sdelay $0x4  }
0x33: {  	[tilespmem:$0x6490] =	vst v1;
	v1 =	vld [tilespmem:$0x1FFB0];
	_ =	sdelay $0x7  }
0x34: {  	v1 =	vld.idx.msk [tilespmem:v1+s2+$0x0], $0xffff;
	_ =	sdelay $0x4  }
0x35: {  	[tilespmem:$0x64A0] =	vst v1;
	v1 =	vld [tilespmem:$0x1FFC0];
	_ =	sdelay $0x7  }
0x36: {  	v1 =	vld.idx.msk [tilespmem:v1+s2+$0x0], $0xffff;
	_ =	sdelay $0x4  }
0x37: {  	[tilespmem:$0x64B0] =	vst v1;
	v1 =	vld [tilespmem:$0x1FFD0];
	_ =	sdelay $0x7  }
0x38: {  	v1 =	vld.idx.msk [tilespmem:v1+s2+$0x0], $0xffff;
	_ =	sdelay $0x4  }
0x39: {  	[tilespmem:$0x64C0] =	vst v1;
	v1 =	vld [tilespmem:$0x1FFE0];
	_ =	sdelay $0x7  }
0x3a: {  	v1 =	vld.idx.msk [tilespmem:v1+s2+$0x0], $0xffff;
	_ =	sdelay $0x4  }
0x3b: {  	[tilespmem:$0x64D0] =	vst v1;
	v1 =	vld [tilespmem:$0x1FFF0];
	_ =	sdelay $0x7  }
0x3c: {  	v1 =	vld.idx.msk [tilespmem:v1+s2+$0x0], $0xffff;
	_ =	sdelay $0x4  }
0x3d: {  	[tilespmem:$0x64E0] =	vst v1  }
0x3e: {  	v1 =	vld.idx.msk [tilespmem:v16+s2+$0x0], $0xffff;
	_ =	sdelay $0x4  }
0x3f: {  	s20 =	simm.s32 $0x0;
	[tilespmem:$0x64F0] =	vst v1  }
0x40: {  	[tilespmem:s12], [sflag:$0x3] =	stream.indirect.gather [hbm4b:s3+s8], $0x40, s11, s8, $0xb8;
	[tilespmem:$0xE900] =	vst v63  }
.LBB2_2:
0x41: {  	s21 =	simm.s32 $0x0;
	_ =	swait.ge [sflag:s13], $0x2000  }
0x42: {  	s28 =	simm.s32 $0x1;
	s22 =	simm.s32 $0x2;
	s29 =	simm.s32 $0x3;
	v1 =	vmov s21  }
0x43: {  	s30 =	simm.s32 $0x4;
	s23 =	simm.s32 $0x7;
	s31 =	simm.s32 $0x5;
	v2 =	vmov s28;
	v3 =	vmov s22;
	v4 =	vmov s29  }
0x44: {  	p0 =	seq.s32 s20, $0x0;
	[sflag:s13] =	ssyncset.done $0x0;
	v5 =	vmov s30;
	v6 =	vmov s23;
	v7 =	vmov s31;
	s23 =	simm.s32 $0x6  }
0x45: {  	s22 =	simm.s32 @!p0 $0x4;
	v1 =	vshrl.u32 v1, $0x3;
	[sflag:s13] =	ssyncadd.s32 $0xFFFFE000;
	v6 =	vshrl.u32 v6, $0x3;
	v52 =	vmov s23  }
0x46: {  	v2 =	vshrl.u32 v2, $0x3;
	v3 =	vshrl.u32 v3, $0x3;
	_ =	swait.ge @!p0 [sflag:s22], $0x2000;
	v6 =	vshll.u32 v6, v17  }
0x47: {  	v4 =	vshrl.u32 v4, $0x3;
	v1 =	vshll.u32 v1, v17;
	[sflag:s22] =	ssyncset.done @!p0 $0x0;
	v6 =	vbroadcast v6, $0x0  }
0x48: {  	v5 =	vshrl.u32 v5, $0x3;
	v49 =	vbroadcast v1, $0x0;
	v1 =	vshll.u32 v2, v17;
	[sflag:s22] =	ssyncadd.s32 @!p0 $0xFFFFE000;
	s22 =	simm.s32 $0x6600  }
0x49: {  	v55 =	vbroadcast v1, $0x0;
	v1 =	vshll.u32 v3, v17;
	v2 =	vld [tilespmem:s22+$0xC0];
	v3 =	vadd.s32 v45, v6  }
0x4a: {  	v54 =	vld [tilespmem:s22+$0xFFFFFF00];
	v56 =	vadd.s32 v14, v49;
	v8 =	vbroadcast v1, $0x0;
	v1 =	vshll.u32 v4, v17  }
0x4b: {  	v4 =	vld [tilespmem:s22+$0xFFFFFF40];
	v57 =	vadd.s32 v21, v55;
	v51 =	vbroadcast v1, $0x0;
	v1 =	vshll.u32 v5, v17  }
0x4c: {  	v5 =	vld [tilespmem:s22+$0xFFFFFF80];
	v58 =	vadd.s32 v25, v8;
	v50 =	vbroadcast v1, $0x0;
	v1 =	vshrl.u32 v7, $0x3  }
0x4d: {  	v52 =	vshrl.u32 v52, $0x3;
	v7 =	vld [tilespmem:s22+$0xFFFFFFC0];
	v59 =	vadd.s32 v29, v51;
	v1 =	vshll.u32 v1, v17  }
0x4e: {  	v60 =	vld [tilespmem:s22+$0x0];
	v61 =	vadd.s32 v33, v50;
	v53 =	vbroadcast v1, $0x0;
	v1 =	vshll.u32 v52, v17;
	[tilespmem:v3+s14+$0x0] =	vst.idx.msk $0xffff, v2  }
0x4f: {  	[tilespmem:v56+s14+$0x0] =	vst.idx.msk $0xffff, v54;
	v52 =	vbroadcast v1, $0x0;
	v2 =	vadd.s32 v46, v6;
	v1 =	vld [tilespmem:s22+$0xD0]  }
0x50: {  	v3 =	vld [tilespmem:s22+$0x40];
	[tilespmem:v57+s14+$0x0] =	vst.idx.msk $0xffff, v4;
	v4 =	vadd.s32 v37, v53  }
0x51: {  	[tilespmem:v58+s14+$0x0] =	vst.idx.msk $0xffff, v5;
	v5 =	vld [tilespmem:s22+$0x80];
	v54 =	vadd.s32 v41, v52  }
0x52: {  	v10 =	vadd.s32 v22, v55;
	v9 =	vld [tilespmem:s22+$0xFFFFFF50];
	[tilespmem:v59+s14+$0x0] =	vst.idx.msk $0xffff, v7  }
0x53: {  	v11 =	vadd.s32 v26, v8;
	v7 =	vld [tilespmem:s22+$0xFFFFFF90];
	[tilespmem:v61+s14+$0x0] =	vst.idx.msk $0xffff, v60  }
0x54: {  	v59 =	vld [tilespmem:s22+$0xFFFFFFD0];
	v60 =	vadd.s32 v30, v51;
	[tilespmem:v2+s14+$0x0] =	vst.idx.msk $0xffff, v1  }
0x55: {  	[tilespmem:v4+s14+$0x0] =	vst.idx.msk $0xffff, v3;
	v3 =	vld [tilespmem:s22+$0x10];
	v4 =	vadd.s32 v34, v50  }
0x56: {  	v2 =	vadd.s32 v47, v6;
	v1 =	vld [tilespmem:s22+$0xE0];
	[tilespmem:v54+s14+$0x0] =	vst.idx.msk $0xffff, v5  }
0x57: {  	[tilespmem:v10+s14+$0x0] =	vst.idx.msk $0xffff, v9;
	v5 =	vld [tilespmem:s22+$0x50];
	v54 =	vadd.s32 v38, v53  }
0x58: {  	v9 =	vadd.s32 v42, v52;
	[tilespmem:v11+s14+$0x0] =	vst.idx.msk $0xffff, v7;
	v7 =	vld [tilespmem:s22+$0x90]  }
0x59: {  	v10 =	vld [tilespmem:s22+$0xFFFFFF10];
	v11 =	vadd.s32 v18, v49;
	[tilespmem:v60+s14+$0x0] =	vst.idx.msk $0xffff, v59  }
0x5a: {  	v59 =	vld [tilespmem:s22+$0xFFFFFF60];
	v60 =	vadd.s32 v23, v55;
	[tilespmem:v4+s14+$0x0] =	vst.idx.msk $0xffff, v3  }
0x5b: {  	v3 =	vld [tilespmem:s22+$0xFFFFFFA0];
	v4 =	vadd.s32 v27, v8;
	[tilespmem:v2+s14+$0x0] =	vst.idx.msk $0xffff, v1  }
0x5c: {  	v2 =	vadd.s32 v48, v6;
	[tilespmem:v54+s14+$0x0] =	vst.idx.msk $0xffff, v5;
	v1 =	vld [tilespmem:s22+$0xF0]  }
0x5d: {  	v63 =	vadd.s32 v31, v51;
	v6 =	vld [tilespmem:s22+$0xFFFFFFE0];
	[tilespmem:v9+s14+$0x0] =	vst.idx.msk $0xffff, v7  }
0x5e: {  	s29 =	simm.s32 $0xC;
	[tilespmem:v11+s14+$0x0] =	vst.idx.msk $0xffff, v10;
	v9 =	vld [tilespmem:s22+$0x20];
	v10 =	vadd.s32 v35, v50  }
0x5f: {  	s24 =	simm.s32 $0x8;
	s30 =	simm.s32 $0xD;
	v62 =	vmov s29;
	v57 =	vadd.s32 v39, v53;
	v56 =	vld [tilespmem:s22+$0x60];
	[tilespmem:v60+s14+$0x0] =	vst.idx.msk $0xffff, v59  }
0x60: {  	s25 =	simm.s32 $0x9;
	v5 =	vmov s24;
	v54 =	vmov s30;
	v58 =	vld [tilespmem:s22+$0xA0];
	v59 =	vadd.s32 v43, v52;
	[tilespmem:v4+s14+$0x0] =	vst.idx.msk $0xffff, v3  }
0x61: {  	s26 =	simm.s32 $0xA;
	s28 =	simm.s32 $0xB;
	v11 =	vshrl.u32 v5, $0x3;
	v5 =	vmov s25;
	v61 =	vld [tilespmem:s22+$0xFFFFFF20];
	[tilespmem:v2+s14+$0x0] =	vst.idx.msk $0xffff, v1;
	v1 =	vadd.s32 v19, v49  }
0x62: {  	s31 =	simm.s32 $0xE;
	v7 =	vmov s26;
	v60 =	vmov s28;
	v4 =	vadd.s32 v24, v55;
	[tilespmem:v63+s14+$0x0] =	vst.idx.msk $0xffff, v6;
	v2 =	vld [tilespmem:s22+$0xFFFFFF70]  }
0x63: {  	s21 =	sshll.u32 s20, $0x1;
	s23 =	simm.s32 $0x10;
	s24 =	simm.s32 $0xF;
	v55 =	vmov s31;
	v63 =	vshll.u32 v11, v17;
	v3 =	vld [tilespmem:s22+$0xFFFFFFB0];
	v6 =	vadd.s32 v28, v8;
	[tilespmem:v10+s14+$0x0] =	vst.idx.msk $0xffff, v9  }
.LBB2_3:
0x64: {  	p1 =	slt.u32 s23, $0x78;
	v5 =	vshrl.u32 v5, $0x3;
	v8 =	vmov s24;
	v9 =	vld [tilespmem:s22+$0xFFFFFFF0];
	v10 =	vadd.s32 v32, v51;
	[tilespmem:v57+s14+$0x0] =	vst.idx.msk $0xffff, v56  }
0x65: {  	v7 =	vshrl.u32 v7, $0x3;
	v50 =	vadd.s32 v36, v50;
	v8 =	vshrl.u32 v8, $0x3;
	v11 =	vld [tilespmem:s22+$0x30];
	[tilespmem:v59+s14+$0x0] =	vst.idx.msk $0xffff, v58  }
0x66: {  	v51 =	vshrl.u32 v60, $0x3;
	v53 =	vadd.s32 v40, v53;
	v8 =	vshll.u32 v8, v17;
	[tilespmem:v1+s14+$0x0] =	vst.idx.msk $0xffff, v61;
	v1 =	vld [tilespmem:s22+$0x70]  }
0x67: {  	v56 =	vshrl.u32 v62, $0x3;
	v8 =	vbroadcast v8, $0x0;
	[tilespmem:v4+s14+$0x0] =	vst.idx.msk $0xffff, v2;
	v2 =	vld [tilespmem:s22+$0xB0];
	v4 =	vadd.s32 v44, v52  }
0x68: {  	v57 =	vadd.s32 v20, v49;
	v49 =	vbroadcast v63, $0x0;
	v5 =	vshll.u32 v5, v17;
	v52 =	vld [tilespmem:s22+$0xFFFFFF30];
	[tilespmem:v6+s14+$0x0] =	vst.idx.msk $0xffff, v3;
	s22 =	sadd.s32 $0x200, s22  }
0x69: {  	v3 =	vbroadcast v5, $0x0;
	v5 =	vshll.u32 v7, v17;
	v6 =	vld [tilespmem:s22+$0xC0];
	v7 =	vadd.s32 v45, v8;
	[tilespmem:v10+s14+$0x0] =	vst.idx.msk $0xffff, v9  }
0x6a: {  	v10 =	vadd.s32 v14, v49;
	v12 =	vbroadcast v5, $0x0;
	v5 =	vshll.u32 v51, v17;
	v9 =	vld [tilespmem:s22+$0xFFFFFF00];
	[tilespmem:v50+s14+$0x0] =	vst.idx.msk $0xffff, v11  }
0x6b: {  	v58 =	vadd.s32 v21, v3;
	v51 =	vbroadcast v5, $0x0;
	v5 =	vshll.u32 v56, v17;
	v11 =	vld [tilespmem:s22+$0xFFFFFF40];
	[tilespmem:v53+s14+$0x0] =	vst.idx.msk $0xffff, v1  }
0x6c: {  	v56 =	vadd.s32 v25, v12;
	v50 =	vbroadcast v5, $0x0;
	v5 =	vshrl.u32 v54, $0x3;
	v1 =	vld [tilespmem:s22+$0xFFFFFF80];
	[tilespmem:v4+s14+$0x0] =	vst.idx.msk $0xffff, v2  }
0x6d: {  	v54 =	vshrl.u32 v55, $0x3;
	v4 =	vadd.s32 v29, v51;
	v5 =	vshll.u32 v5, v17;
	v2 =	vld [tilespmem:s22+$0xFFFFFFC0];
	[tilespmem:v57+s14+$0x0] =	vst.idx.msk $0xffff, v52  }
0x6e: {  	v57 =	vadd.s32 v33, v50;
	v53 =	vbroadcast v5, $0x0;
	v5 =	vshll.u32 v54, v17;
	v55 =	vld [tilespmem:s22+$0x0];
	[tilespmem:v7+s14+$0x0] =	vst.idx.msk $0xffff, v6  }
0x6f: {  	v52 =	vbroadcast v5, $0x0;
	v6 =	vadd.s32 v46, v8;
	[tilespmem:v10+s14+$0x0] =	vst.idx.msk $0xffff, v9;
	v5 =	vld [tilespmem:s22+$0xD0]  }
0x70: {  	v9 =	vadd.s32 v37, v53;
	[tilespmem:v58+s14+$0x0] =	vst.idx.msk $0xffff, v11;
	v7 =	vld [tilespmem:s22+$0x40]  }
0x71: {  	v10 =	vadd.s32 v41, v52;
	[tilespmem:v56+s14+$0x0] =	vst.idx.msk $0xffff, v1;
	v1 =	vld [tilespmem:s22+$0x80]  }
0x72: {  	v54 =	vadd.s32 v22, v3;
	v11 =	vld [tilespmem:s22+$0xFFFFFF50];
	[tilespmem:v4+s14+$0x0] =	vst.idx.msk $0xffff, v2  }
0x73: {  	v4 =	vadd.s32 v26, v12;
	v2 =	vld [tilespmem:s22+$0xFFFFFF90];
	[tilespmem:v57+s14+$0x0] =	vst.idx.msk $0xffff, v55  }
0x74: {  	v56 =	vadd.s32 v30, v51;
	v55 =	vld [tilespmem:s22+$0xFFFFFFD0];
	[tilespmem:v6+s14+$0x0] =	vst.idx.msk $0xffff, v5  }
0x75: {  	v6 =	vadd.s32 v47, v8;
	[tilespmem:v9+s14+$0x0] =	vst.idx.msk $0xffff, v7;
	v5 =	vld [tilespmem:s22+$0xE0]  }
0x76: {  	v9 =	vadd.s32 v34, v50;
	v7 =	vld [tilespmem:s22+$0x10];
	[tilespmem:v10+s14+$0x0] =	vst.idx.msk $0xffff, v1  }
0x77: {  	v10 =	vadd.s32 v38, v53;
	[tilespmem:v54+s14+$0x0] =	vst.idx.msk $0xffff, v11;
	v1 =	vld [tilespmem:s22+$0x50]  }
0x78: {  	[tilespmem:v4+s14+$0x0] =	vst.idx.msk $0xffff, v2;
	v2 =	vld [tilespmem:s22+$0x90];
	v4 =	vadd.s32 v42, v52  }
0x79: {  	v54 =	vadd.s32 v18, v49;
	v11 =	vld [tilespmem:s22+$0xFFFFFF10];
	[tilespmem:v56+s14+$0x0] =	vst.idx.msk $0xffff, v55  }
0x7a: {  	v56 =	vadd.s32 v23, v3;
	v55 =	vld [tilespmem:s22+$0xFFFFFF60];
	[tilespmem:v6+s14+$0x0] =	vst.idx.msk $0xffff, v5  }
0x7b: {  	[tilespmem:v9+s14+$0x0] =	vst.idx.msk $0xffff, v7;
	v6 =	vld [tilespmem:s22+$0xF0];
	v7 =	vadd.s32 v48, v8  }
0x7c: {  	v9 =	vadd.s32 v27, v12;
	v8 =	vld [tilespmem:s22+$0xFFFFFFA0];
	[tilespmem:v10+s14+$0x0] =	vst.idx.msk $0xffff, v1  }
0x7d: {  	v63 =	vadd.s32 v31, v51;
	v10 =	vld [tilespmem:s22+$0xFFFFFFE0];
	[tilespmem:v4+s14+$0x0] =	vst.idx.msk $0xffff, v2  }
0x7e: {  	v13 =	vadd.s32 v35, v50;
	[tilespmem:v54+s14+$0x0] =	vst.idx.msk $0xffff, v11;
	v11 =	vld [tilespmem:s22+$0x20]  }
.Ltmp2:
0x7f: {  	s24 =	sadd.s32 $0x1, s23;
	v57 =	vadd.s32 v39, v53;
	v1 =	vmov s23;
	[tilespmem:v56+s14+$0x0] =	vst.idx.msk $0xffff, v55;
	v56 =	vld [tilespmem:s22+$0x60];
	(pc) =	sbr.rel @p1 .LBB2_3-.Ltmp2, $4  }
0x80: {  	s25 =	sadd.s32 $0x3, s23;
	v59 =	vadd.s32 v43, v52;
	v5 =	vmov s24;
	s24 =	sadd.s32 $0x2, s23;
	v55 =	vshrl.u32 v1, $0x3;
	v58 =	vld [tilespmem:s22+$0xA0];
	[tilespmem:v7+s14+$0x0] =	vst.idx.msk $0xffff, v6  }
0x81: {  	v60 =	vmov s25;
	s25 =	sadd.s32 $0x5, s23;
	v1 =	vadd.s32 v19, v49;
	v7 =	vmov s24;
	s24 =	sadd.s32 $0x4, s23;
	v61 =	vld [tilespmem:s22+$0xFFFFFF20];
	[tilespmem:v9+s14+$0x0] =	vst.idx.msk $0xffff, v8  }
0x82: {  	v4 =	vadd.s32 v24, v3;
	v54 =	vmov s25;
	v62 =	vmov s24;
	s24 =	sadd.s32 $0x6, s23;
	v2 =	vld [tilespmem:s22+$0xFFFFFF70];
	[tilespmem:v63+s14+$0x0] =	vst.idx.msk $0xffff, v10  }
0x83: {  	v6 =	vadd.s32 v28, v12;
	v63 =	vshll.u32 v55, v17;
	v55 =	vmov s24;
	s24 =	sadd.s32 $0x7, s23;
	s23 =	sadd.s32 $0x8, s23;
	v3 =	vld [tilespmem:s22+$0xFFFFFFB0];
	[tilespmem:v13+s14+$0x0] =	vst.idx.msk $0xffff, v11  }
0x84: {  	_ =	sdelay $0x2  }
0x85: {  	v5 =	vshrl.u32 v5, $0x3  }
0x86: {  	v8 =	vmov s24;
	v9 =	vld [tilespmem:s22+$0xFFFFFFF0];
	v10 =	vadd.s32 v32, v51;
	[tilespmem:v57+s14+$0x0] =	vst.idx.msk $0xffff, v56;
	v7 =	vshrl.u32 v7, $0x3  }
0x87: {  	v11 =	vld [tilespmem:s22+$0x30];
	v12 =	vadd.s32 v36, v50;
	v50 =	vadd.s32 v40, v53;
	v8 =	vshrl.u32 v8, $0x3;
	[tilespmem:v59+s14+$0x0] =	vst.idx.msk $0xffff, v58  }
0x88: {  	v13 =	vshrl.u32 v60, $0x3;
	v49 =	vadd.s32 v20, v49;
	v8 =	vshll.u32 v8, v17;
	[tilespmem:v1+s14+$0x0] =	vst.idx.msk $0xffff, v61;
	v1 =	vld [tilespmem:s22+$0x70]  }
0x89: {  	v61 =	vshrl.u32 v62, $0x3;
	v62 =	vadd.s32 v44, v52;
	v52 =	vbroadcast v63, $0x0;
	[tilespmem:v4+s14+$0x0] =	vst.idx.msk $0xffff, v2;
	v2 =	vld [tilespmem:s22+$0xB0]  }
0x8a: {  	s31 =	sadd.s32 $0x200, s22;
	v54 =	vshrl.u32 v54, $0x3;
	v5 =	vshll.u32 v5, v17;
	v8 =	vbroadcast v8, $0x0;
	v63 =	vld [tilespmem:s22+$0xFFFFFF30];
	[tilespmem:v6+s14+$0x0] =	vst.idx.msk $0xffff, v3  }
0x8b: {  	v56 =	vshll.u32 v7, v17;
	v58 =	vld [tilespmem:s31+$0xFFFFFF00];
	v3 =	vbroadcast v5, $0x0;
	v59 =	vadd.s32 v14, v52;
	[tilespmem:v10+s14+$0x0] =	vst.idx.msk $0xffff, v9  }
0x8c: {  	v13 =	vshll.u32 v13, v17;
	v6 =	vld [tilespmem:s31+$0xC0];
	v5 =	vbroadcast v56, $0x0;
	v57 =	vadd.s32 v45, v8;
	[tilespmem:v12+s14+$0x0] =	vst.idx.msk $0xffff, v11  }
0x8d: {  	v60 =	vld [tilespmem:s31+$0xFFFFFF40];
	v13 =	vbroadcast v13, $0x0;
	v51 =	vshll.u32 v61, v17;
	v12 =	vadd.s32 v21, v3;
	[tilespmem:v50+s14+$0x0] =	vst.idx.msk $0xffff, v1  }
0x8e: {  	v54 =	vshll.u32 v54, v17;
	v51 =	vbroadcast v51, $0x0;
	v61 =	vadd.s32 v25, v5;
	v1 =	vld [tilespmem:s31+$0xFFFFFF80];
	[tilespmem:v62+s14+$0x0] =	vst.idx.msk $0xffff, v2  }
0x8f: {  	v55 =	vshrl.u32 v55, $0x3;
	v54 =	vbroadcast v54, $0x0;
	v2 =	vld [tilespmem:s31+$0xFFFFFFC0];
	v62 =	vadd.s32 v29, v13;
	[tilespmem:v49+s14+$0x0] =	vst.idx.msk $0xffff, v63  }
0x90: {  	v55 =	vshll.u32 v55, v17;
	v49 =	vld [tilespmem:s31+$0x0];
	v63 =	vadd.s32 v33, v51;
	[tilespmem:v59+s14+$0x0] =	vst.idx.msk $0xffff, v58  }
0x91: {  	v58 =	vld [tilespmem:s31+$0x40];
	v59 =	vadd.s32 v37, v54;
	[tilespmem:v57+s14+$0x0] =	vst.idx.msk $0xffff, v6;
	v6 =	vbroadcast v55, $0x0  }
0x92: {  	v57 =	vadd.s32 v46, v8;
	v7 =	vld [tilespmem:s31+$0xD0];
	[tilespmem:v12+s14+$0x0] =	vst.idx.msk $0xffff, v60  }
0x93: {  	[tilespmem:v61+s14+$0x0] =	vst.idx.msk $0xffff, v1;
	v1 =	vld [tilespmem:s31+$0x80];
	v12 =	vadd.s32 v41, v6  }
0x94: {  	v60 =	vld [tilespmem:s31+$0xFFFFFF50];
	v61 =	vadd.s32 v22, v3;
	[tilespmem:v62+s14+$0x0] =	vst.idx.msk $0xffff, v2  }
0x95: {  	v2 =	vld [tilespmem:s31+$0xFFFFFF90];
	v62 =	vadd.s32 v26, v5;
	[tilespmem:v63+s14+$0x0] =	vst.idx.msk $0xffff, v49  }
0x96: {  	v63 =	vadd.s32 v30, v13;
	v49 =	vld [tilespmem:s31+$0xFFFFFFD0];
	[tilespmem:v59+s14+$0x0] =	vst.idx.msk $0xffff, v58  }
0x97: {  	v58 =	vld [tilespmem:s31+$0x10];
	v59 =	vadd.s32 v34, v51;
	[tilespmem:v57+s14+$0x0] =	vst.idx.msk $0xffff, v7  }
0x98: {  	v57 =	vadd.s32 v47, v8;
	v7 =	vld [tilespmem:s31+$0xE0];
	[tilespmem:v12+s14+$0x0] =	vst.idx.msk $0xffff, v1  }
0x99: {  	[tilespmem:v61+s14+$0x0] =	vst.idx.msk $0xffff, v60;
	v1 =	vld [tilespmem:s31+$0x50];
	v12 =	vadd.s32 v38, v54  }
0x9a: {  	v60 =	vadd.s32 v42, v6;
	[tilespmem:v62+s14+$0x0] =	vst.idx.msk $0xffff, v2;
	v2 =	vld [tilespmem:s31+$0x90]  }
0x9b: {  	v61 =	vld [tilespmem:s31+$0xFFFFFF10];
	v62 =	vadd.s32 v18, v52;
	[tilespmem:v63+s14+$0x0] =	vst.idx.msk $0xffff, v49  }
0x9c: {  	v56 =	vadd.s32 v23, v3;
	v63 =	vld [tilespmem:s31+$0xFFFFFF60];
	[tilespmem:v59+s14+$0x0] =	vst.idx.msk $0xffff, v58  }
0x9d: {  	v58 =	vadd.s32 v27, v5;
	[tilespmem:v57+s14+$0x0] =	vst.idx.msk $0xffff, v7;
	v57 =	vld [tilespmem:s31+$0xFFFFFFA0]  }
0x9e: {  	v59 =	vadd.s32 v31, v13;
	[tilespmem:v12+s14+$0x0] =	vst.idx.msk $0xffff, v1;
	v1 =	vld [tilespmem:s31+$0xFFFFFFE0]  }
0x9f: {  	v8 =	vadd.s32 v48, v8;
	v7 =	vld [tilespmem:s31+$0xF0];
	[tilespmem:v60+s14+$0x0] =	vst.idx.msk $0xffff, v2  }
0xa0: {  	[tilespmem:v62+s14+$0x0] =	vst.idx.msk $0xffff, v61;
	v2 =	vld [tilespmem:s31+$0x20];
	v60 =	vadd.s32 v35, v51  }
0xa1: {  	v12 =	vld [tilespmem:s31+$0x60];
	v61 =	vadd.s32 v39, v54;
	[tilespmem:v56+s14+$0x0] =	vst.idx.msk $0xffff, v63  }
0xa2: {  	v62 =	vld [tilespmem:s31+$0xA0];
	v63 =	vadd.s32 v43, v6;
	[tilespmem:v58+s14+$0x0] =	vst.idx.msk $0xffff, v57  }
0xa3: {  	v55 =	vld [tilespmem:s31+$0xFFFFFF20];
	v56 =	vadd.s32 v19, v52;
	[tilespmem:v59+s14+$0x0] =	vst.idx.msk $0xffff, v1  }
0xa4: {  	v3 =	vadd.s32 v24, v3;
	v57 =	vld [tilespmem:s31+$0xFFFFFF70];
	[tilespmem:v8+s14+$0x0] =	vst.idx.msk $0xffff, v7  }
0xa5: {  	v5 =	vadd.s32 v28, v5;
	v1 =	vld [tilespmem:s31+$0xFFFFFFB0];
	[tilespmem:v60+s14+$0x0] =	vst.idx.msk $0xffff, v2  }
0xa6: {  	v58 =	vadd.s32 v32, v13;
	v2 =	vld [tilespmem:s31+$0xFFFFFFF0];
	[tilespmem:v61+s14+$0x0] =	vst.idx.msk $0xffff, v12  }
0xa7: {  	v60 =	vadd.s32 v36, v51;
	v59 =	vld [tilespmem:s31+$0x30];
	[tilespmem:v63+s14+$0x0] =	vst.idx.msk $0xffff, v62  }
0xa8: {  	s23 =	smulhi.u32 $0x51EB851F, s21;
	[tilespmem:v56+s14+$0x0] =	vst.idx.msk $0xffff, v55;
	v61 =	vld [tilespmem:s31+$0x70];
	v62 =	vadd.s32 v40, v54  }
0xa9: {  	v12 =	vadd.s32 v20, v52;
	v63 =	vld [tilespmem:s31+$0xFFFFFF30];
	[tilespmem:v3+s14+$0x0] =	vst.idx.msk $0xffff, v57  }
0xaa: {  	s24 =	smulhi.u32 $0x51EB851F, s20;
	s23 =	sshrl.u32 s23, $0x4;
	v6 =	vadd.s32 v44, v6;
	v3 =	vld [tilespmem:s31+$0xB0];
	[tilespmem:v5+s14+$0x0] =	vst.idx.msk $0xffff, v1  }
0xab: {  	s22 =	smul.u32 $0x32, s23;
	[tilespmem:v58+s14+$0x0] =	vst.idx.msk $0xffff, v2  }
0xac: {  	s23 =	sshll.u32 s24, $0x4;
	[tilespmem:v60+s14+$0x0] =	vst.idx.msk $0xffff, v59  }
0xad: {  	s23 =	sand.u32 $0xFFFFFF80, s23;
	s22 =	ssub.s32 s21, s22;
	[tilespmem:v62+s14+$0x0] =	vst.idx.msk $0xffff, v61  }
0xae: {  	s25 =	sshll.u32 s22, $0x11;
	s22 =	sadd.s32 s6, s23;
	[tilespmem:v12+s14+$0x0] =	vst.idx.msk $0xffff, v63  }
0xaf: {  	s26 =	simm.s32 $0xA500;
	s24 =	sadd.s32 s25, s22;
	[tilespmem:v6+s14+$0x0] =	vst.idx.msk $0xffff, v3  }
0xb0: {  	[hbm4b:s24+s2] =	stream.linear.scatter [tilespmem:s26], [sflag:$0x4], $0x80, $0x38;
	[tilespmem:$0xE900] =	vst v63  }
0xb1: {  	s29 =	simm.s32 $0xA588;
	s25 =	sadd.s32 $0x10, s24  }
0xb2: {  	[hbm4b:s25+s2] =	stream.linear.scatter [tilespmem:s29], [sflag:$0x4], $0x80, $0x38;
	[tilespmem:$0xE900] =	vst v63  }
0xb3: {  	s30 =	simm.s32 $0xA610;
	s23 =	simm.s32 $0x440;
	s31 =	sadd.s32 $0x20, s24  }
0xb4: {  	[hbm4b:s31+s2] =	stream.linear.scatter [tilespmem:s30], [sflag:$0x4], $0x80, $0x38;
	[tilespmem:$0xE900] =	vst v63  }
0xb5: {  	s28 =	sadd.s32 $0x70, s24;
	s26 =	simm.s32 $0xA698;
	s29 =	sadd.s32 $0x30, s24  }
0xb6: {  	[hbm4b:s29+s2] =	stream.linear.scatter [tilespmem:s26], [sflag:$0x4], $0x80, $0x38;
	[tilespmem:$0xE900] =	vst v63  }
0xb7: {  	s25 =	simm.s32 $0x2200;
	s30 =	simm.s32 $0xA720;
	s31 =	sadd.s32 $0x40, s24  }
0xb8: {  	[hbm4b:s31+s2] =	stream.linear.scatter [tilespmem:s30], [sflag:$0x4], $0x80, $0x38;
	[tilespmem:$0xE900] =	vst v63  }
0xb9: {  	s26 =	simm.s32 $0xA7A8;
	s29 =	sadd.s32 $0x50, s24;
	s30 =	simm.s32 $0xA830  }
0xba: {  	[hbm4b:s29+s2] =	stream.linear.scatter [tilespmem:s26], [sflag:$0x4], $0x80, $0x38;
	[tilespmem:$0xE900] =	vst v63  }
0xbb: {  	s31 =	sadd.s32 $0x60, s24;
	s24 =	sadd.s32 $0x4000, s24;
	s26 =	simm.s32 $0xA8B8  }
0xbc: {  	[hbm4b:s31+s2] =	stream.linear.scatter [tilespmem:s30], [sflag:$0x4], $0x80, $0x38;
	[tilespmem:$0xE900] =	vst v63  }
.LBB2_5:
0xbd: {  	[hbm4b:s28+s2] =	stream.linear.scatter [tilespmem:s26], [sflag:$0x4], $0x80, $0x38;
	[tilespmem:$0xE900] =	vst v63  }
0xbe: {  	s26 =	smov.u32 s23;
	s23 =	smov.u32 s25  }
0xbf: {  	s29 =	sadd.s32 $0x1100, s25;
	s23 =	sshra.s32 s23, $0x2;
	s28 =	sadd.s32 $0xA500, s26  }
0xc0: {  	[hbm4b:s24+s2] =	stream.linear.scatter [tilespmem:s28], [sflag:$0x4], $0x80, $0x38;
	[tilespmem:$0xE900] =	vst v63  }
0xc1: {  	p1 =	sne.s32 s25, $0x7700;
	s25 =	sadd.s32 $0xA588, s26;
	s28 =	sadd.s32 $0x10, s24  }
0xc2: {  	[hbm4b:s28+s2] =	stream.linear.scatter [tilespmem:s25], [sflag:$0x4], $0x80, $0x38;
	[tilespmem:$0xE900] =	vst v63  }
0xc3: {  	s25 =	sadd.s32 $0xA610, s26;
	s28 =	sadd.s32 $0x20, s24  }
0xc4: {  	[hbm4b:s28+s2] =	stream.linear.scatter [tilespmem:s25], [sflag:$0x4], $0x80, $0x38;
	[tilespmem:$0xE900] =	vst v63  }
0xc5: {  	s25 =	sadd.s32 $0xA698, s26;
	s28 =	sadd.s32 $0x30, s24  }
0xc6: {  	[hbm4b:s28+s2] =	stream.linear.scatter [tilespmem:s25], [sflag:$0x4], $0x80, $0x38;
	[tilespmem:$0xE900] =	vst v63  }
0xc7: {  	s25 =	sadd.s32 $0xA720, s26;
	s28 =	sadd.s32 $0x40, s24  }
0xc8: {  	[hbm4b:s28+s2] =	stream.linear.scatter [tilespmem:s25], [sflag:$0x4], $0x80, $0x38;
	[tilespmem:$0xE900] =	vst v63  }
.Ltmp3:
0xc9: {  	s25 =	sadd.s32 $0xA7A8, s26;
	s28 =	sadd.s32 $0x50, s24;
	(pc) =	sbr.rel @p1 .LBB2_5-.Ltmp3, $4  }
0xca: {  	[hbm4b:s28+s2] =	stream.linear.scatter [tilespmem:s25], [sflag:$0x4], $0x80, $0x38;
	[tilespmem:$0xE900] =	vst v63  }
0xcb: {  	s25 =	sadd.s32 $0xA830, s26;
	s28 =	sadd.s32 $0x60, s24;
	s26 =	sadd.s32 $0xA8B8, s26  }
0xcc: {  	[hbm4b:s28+s2] =	stream.linear.scatter [tilespmem:s25], [sflag:$0x4], $0x80, $0x38;
	[tilespmem:$0xE900] =	vst v63  }
0xcd: {  	s28 =	sadd.s32 $0x70, s24;
	s24 =	sadd.s32 $0x4000, s24;
	s25 =	smov.u32 s29  }
0xce: {  	[hbm4b:s28+s2] =	stream.linear.scatter [tilespmem:s26], [sflag:$0x4], $0x80, $0x38;
	[tilespmem:$0xE900] =	vst v63  }
0xcf: {  	s25 =	sadd.s32 $0xA500, s23  }
0xd0: {  	[hbm4b:s24+s2] =	stream.linear.scatter [tilespmem:s25], [sflag:$0x4], $0x80, $0x38;
	[tilespmem:$0xE900] =	vst v63  }
0xd1: {  	s30 =	sadd.s32 $0xA588, s23;
	s31 =	sadd.s32 $0x10, s24  }
0xd2: {  	[hbm4b:s31+s2] =	stream.linear.scatter [tilespmem:s30], [sflag:$0x4], $0x80, $0x38;
	[tilespmem:$0xE900] =	vst v63  }
0xd3: {  	s28 =	sadd.s32 $0xA610, s23;
	s29 =	sadd.s32 $0x20, s24  }
0xd4: {  	[hbm4b:s29+s2] =	stream.linear.scatter [tilespmem:s28], [sflag:$0x4], $0x80, $0x38;
	[tilespmem:$0xE900] =	vst v63  }
0xd5: {  	p1 =	seq.s32 s20, $0x63;
	s30 =	sadd.s32 $0xA698, s23;
	s31 =	sadd.s32 $0x30, s24  }
0xd6: {  	[hbm4b:s31+s2] =	stream.linear.scatter [tilespmem:s30], [sflag:$0x4], $0x80, $0x38;
	[tilespmem:$0xE900] =	vst v63  }
0xd7: {  	s25 =	sadd.s32 @!p1 $0x2, s21;
	s28 =	sadd.s32 $0xA720, s23;
	s29 =	sadd.s32 $0x40, s24  }
0xd8: {  	[hbm4b:s29+s2] =	stream.linear.scatter [tilespmem:s28], [sflag:$0x4], $0x80, $0x38;
	[tilespmem:$0xE900] =	vst v63  }
0xd9: {  	s29 =	smulhi.u32 @!p1 $0x51EB851F, s25;
	_ =	sdelay $0x1  }
0xda: {  	s26 =	sshrl.u32 @!p1 s29, $0x4  }
0xdb: {  	s28 =	smul.u32 @!p1 $0x32, s26  }
0xdc: {  	v1 =	vlaneseq.u32 @!p1;
	s26 =	smul.u32 @!p1 $0x1900, s26  }
0xdd: {  	v1 =	vmul.u32 @!p1 $0x32, v1;
	s25 =	ssub.s32 @!p1 s25, s28  }
0xde: {  	s30 =	sadd.s32 $0xA7A8, s23;
	s31 =	sadd.s32 $0x50, s24;
	s25 =	sor.u32 @!p1 s25, s26  }
0xdf: {  	[hbm4b:s31+s2] =	stream.linear.scatter [tilespmem:s30], [sflag:$0x4], $0x80, $0x38;
	v2 =	vadd.s32 @!p1 s25, v1;
	[tilespmem:$0xE900] =	vst v63  }
0xe0: {  	s30 =	sadd.s32 $0xA830, s23;
	s31 =	sadd.s32 $0x60, s24  }
0xe1: {  	[hbm4b:s31+s2] =	stream.linear.scatter [tilespmem:s30], [sflag:$0x4], $0x80, $0x38;
	[tilespmem:$0xE900] =	vst v63  }
0xe2: {  	s28 =	sadd.s32 $0x70, s24;
	s26 =	sadd.s32 $0xA8B8, s23;
	s23 =	simm.s32 @!p1 $0x0  }
0xe3: {  	[hbm4b:s28+s2] =	stream.linear.scatter [tilespmem:s26], [sflag:$0x4], $0x80, $0x38;
	[tilespmem:$0xE900] =	vst v63  }
0xe4: {  	s24 =	sadd.s32 @!p1 $0x320, s25;
	v2 =	vld.idx.msk @!p1 [tilespmem:v2+s23+$0x0], $0xffff  }
0xe5: {  	v3 =	vadd.s32 @!p1 s24, v1;
	_ =	sdelay $0x3  }
0xe6: {  	[tilespmem:$0x6400] =	vst @!p1 v2  }
0xe7: {  	s24 =	sadd.s32 @!p1 $0x640, s25;
	v2 =	vld.idx.msk @!p1 [tilespmem:v3+s23+$0x0], $0xffff  }
0xe8: {  	v3 =	vadd.s32 @!p1 s24, v1;
	_ =	sdelay $0x3  }
0xe9: {  	[tilespmem:$0x6410] =	vst @!p1 v2  }
0xea: {  	s24 =	sadd.s32 @!p1 $0x960, s25;
	v2 =	vld.idx.msk @!p1 [tilespmem:v3+s23+$0x0], $0xffff  }
0xeb: {  	v3 =	vadd.s32 @!p1 s24, v1;
	_ =	sdelay $0x3  }
0xec: {  	[tilespmem:$0x6420] =	vst @!p1 v2  }
0xed: {  	s24 =	sadd.s32 @!p1 $0xC80, s25;
	v2 =	vld.idx.msk @!p1 [tilespmem:v3+s23+$0x0], $0xffff  }
0xee: {  	v3 =	vadd.s32 @!p1 s24, v1;
	_ =	sdelay $0x3  }
0xef: {  	[tilespmem:$0x6430] =	vst @!p1 v2  }
0xf0: {  	s24 =	sadd.s32 @!p1 $0xFA0, s25;
	v2 =	vld.idx.msk @!p1 [tilespmem:v3+s23+$0x0], $0xffff  }
0xf1: {  	v3 =	vadd.s32 @!p1 s24, v1;
	_ =	sdelay $0x3  }
0xf2: {  	[tilespmem:$0x6440] =	vst @!p1 v2  }
0xf3: {  	s24 =	sadd.s32 @!p1 $0x12C0, s25;
	v2 =	vld.idx.msk @!p1 [tilespmem:v3+s23+$0x0], $0xffff  }
0xf4: {  	v3 =	vadd.s32 @!p1 s24, v1;
	_ =	sdelay $0x3  }
0xf5: {  	[tilespmem:$0x6450] =	vst @!p1 v2  }
0xf6: {  	s24 =	sadd.s32 @!p1 $0x15E0, s25;
	v2 =	vld.idx.msk @!p1 [tilespmem:v3+s23+$0x0], $0xffff  }
0xf7: {  	v1 =	vadd.s32 @!p1 s24, v1;
	_ =	sdelay $0x3  }
0xf8: {  	[tilespmem:$0x6460] =	vst @!p1 v2  }
0xf9: {  	v1 =	vld.idx.msk @!p1 [tilespmem:v1+s23+$0x0], $0xffff;
	_ =	sdelay $0x3  }
0xfa: {  	s26 =	simm.s32 $0x4;
	s28 =	simm.s32 $0x7  }
0xfb: {  	v6 =	vmov s28;
	s25 =	simm.s32 @!p1 $0x6500;
	s24 =	simm.s32 @!p1 $0x6400;
	s23 =	simm.s32 @!p1 $0x80;
	[tilespmem:$0x6470] =	vst @!p1 v1  }
0xfc: {  	v5 =	vmov s26;
	v6 =	vshrl.u32 v6, $0x3;
	[tilespmem:s25], [sflag:$0x2] =	stream.indirect.gather @!p1 [hbm4b:s3+s23], $0x40, s24, s23, $0xb8;
	[tilespmem:$0xE900] =	vst v63  }
0xfd: {  	s29 =	simm.s32 $0x0;
	s31 =	simm.s32 $0x2;
	v5 =	vshrl.u32 v5, $0x3;
	v6 =	vshll.u32 v6, v17;
	_ =	swait.ge [sflag:s15], $0x2000  }
0xfe: {  	s30 =	simm.s32 $0x1;
	v6 =	vbroadcast v6, $0x0;
	v3 =	vmov s31;
	v1 =	vmov s29;
	[sflag:s15] =	ssyncset.done $0x0  }
0xff: {  	v3 =	vshrl.u32 v3, $0x3;
	v2 =	vmov s30;
	s29 =	simm.s32 $0x5;
	v1 =	vshrl.u32 v1, $0x3;
	s24 =	simm.s32 @!p0 $0x5;
	[sflag:s15] =	ssyncadd.s32 $0xFFFFE000  }
0x100: {  	v2 =	vshrl.u32 v2, $0x3;
	s25 =	simm.s32 $0x3;
	v7 =	vmov s29;
	v1 =	vshll.u32 v1, v17;
	_ =	swait.ge @!p0 [sflag:s24], $0x2000  }
0x101: {  	v4 =	vmov s25;
	v49 =	vbroadcast v1, $0x0;
	v1 =	vshll.u32 v2, v17;
	[sflag:s24] =	ssyncset.done @!p0 $0x0  }
0x102: {  	v4 =	vshrl.u32 v4, $0x3;
	v9 =	vbroadcast v1, $0x0;
	v1 =	vshll.u32 v3, v17;
	[sflag:s24] =	ssyncadd.s32 @!p0 $0xFFFFE000;
	s24 =	simm.s32 $0x8600  }
0x103: {  	v3 =	vadd.s32 v45, v6;
	v12 =	vbroadcast v1, $0x0;
	v1 =	vshll.u32 v4, v17;
	v2 =	vld [tilespmem:s24+$0xC0]  }
0x104: {  	v13 =	vadd.s32 v21, v9;
	v51 =	vbroadcast v1, $0x0;
	v1 =	vshll.u32 v5, v17;
	v4 =	vld [tilespmem:s24+$0xFFFFFF40]  }
0x105: {  	s30 =	simm.s32 $0x6;
	v11 =	vadd.s32 v14, v49;
	v50 =	vbroadcast v1, $0x0;
	v1 =	vshrl.u32 v7, $0x3;
	v10 =	vld [tilespmem:s24+$0xFFFFFF00]  }
0x106: {  	v8 =	vmov s30;
	v54 =	vadd.s32 v25, v12;
	v5 =	vld [tilespmem:s24+$0xFFFFFF80];
	v1 =	vshll.u32 v1, v17  }
0x107: {  	v8 =	vshrl.u32 v8, $0x3;
	v7 =	vld [tilespmem:s24+$0xFFFFFFC0];
	v55 =	vadd.s32 v29, v51;
	v53 =	vbroadcast v1, $0x0  }
0x108: {  	v56 =	vld [tilespmem:s24+$0x0];
	v57 =	vadd.s32 v33, v50;
	v1 =	vshll.u32 v8, v17;
	[tilespmem:v3+s16+$0x0] =	vst.idx.msk $0xffff, v2  }
0x109: {  	v52 =	vbroadcast v1, $0x0;
	[tilespmem:v13+s16+$0x0] =	vst.idx.msk $0xffff, v4;
	v3 =	vld [tilespmem:s24+$0x40];
	v4 =	vadd.s32 v37, v53  }
0x10a: {  	[tilespmem:v11+s16+$0x0] =	vst.idx.msk $0xffff, v10;
	v2 =	vadd.s32 v46, v6;
	v1 =	vld [tilespmem:s24+$0xD0]  }
0x10b: {  	v8 =	vadd.s32 v41, v52;
	[tilespmem:v54+s16+$0x0] =	vst.idx.msk $0xffff, v5;
	v5 =	vld [tilespmem:s24+$0x80]  }
0x10c: {  	v63 =	vadd.s32 v22, v9;
	[tilespmem:v55+s16+$0x0] =	vst.idx.msk $0xffff, v7;
	v62 =	vld [tilespmem:s24+$0xFFFFFF50]  }
0x10d: {  	v13 =	vadd.s32 v26, v12;
	v7 =	vld [tilespmem:s24+$0xFFFFFF90];
	[tilespmem:v57+s16+$0x0] =	vst.idx.msk $0xffff, v56  }
0x10e: {  	v59 =	vadd.s32 v30, v51;
	v58 =	vld [tilespmem:s24+$0xFFFFFFD0];
	[tilespmem:v4+s16+$0x0] =	vst.idx.msk $0xffff, v3  }
0x10f: {  	v3 =	vld [tilespmem:s24+$0x10];
	v4 =	vadd.s32 v34, v50;
	[tilespmem:v2+s16+$0x0] =	vst.idx.msk $0xffff, v1  }
0x110: {  	[tilespmem:v8+s16+$0x0] =	vst.idx.msk $0xffff, v5;
	v2 =	vadd.s32 v47, v6;
	v1 =	vld [tilespmem:s24+$0xE0]  }
0x111: {  	v8 =	vadd.s32 v38, v53;
	[tilespmem:v63+s16+$0x0] =	vst.idx.msk $0xffff, v62;
	v5 =	vld [tilespmem:s24+$0x50]  }
0x112: {  	v60 =	vadd.s32 v42, v52;
	[tilespmem:v13+s16+$0x0] =	vst.idx.msk $0xffff, v7;
	v7 =	vld [tilespmem:s24+$0x90]  }
0x113: {  	v61 =	vld [tilespmem:s24+$0xFFFFFF10];
	v13 =	vadd.s32 v18, v49;
	[tilespmem:v59+s16+$0x0] =	vst.idx.msk $0xffff, v58  }
0x114: {  	v63 =	vadd.s32 v23, v9;
	v62 =	vld [tilespmem:s24+$0xFFFFFF60];
	[tilespmem:v4+s16+$0x0] =	vst.idx.msk $0xffff, v3  }
0x115: {  	v3 =	vld [tilespmem:s24+$0xFFFFFFA0];
	v4 =	vadd.s32 v27, v12;
	[tilespmem:v2+s16+$0x0] =	vst.idx.msk $0xffff, v1  }
0x116: {  	[tilespmem:v8+s16+$0x0] =	vst.idx.msk $0xffff, v5;
	v2 =	vadd.s32 v48, v6;
	v1 =	vld [tilespmem:s24+$0xF0]  }
0x117: {  	v11 =	vadd.s32 v35, v50;
	[tilespmem:v60+s16+$0x0] =	vst.idx.msk $0xffff, v7;
	v10 =	vld [tilespmem:s24+$0x20]  }
0x118: {  	s30 =	simm.s32 $0xD;
	v8 =	vadd.s32 v31, v51;
	[tilespmem:v13+s16+$0x0] =	vst.idx.msk $0xffff, v61;
	v6 =	vld [tilespmem:s24+$0xFFFFFFE0]  }
0x119: {  	s26 =	simm.s32 $0xA;
	s31 =	simm.s32 $0x8;
	v54 =	vmov s30;
	v57 =	vadd.s32 v39, v53;
	[tilespmem:v63+s16+$0x0] =	vst.idx.msk $0xffff, v62;
	v56 =	vld [tilespmem:s24+$0x60]  }
0x11a: {  	s28 =	simm.s32 $0xB;
	v59 =	vadd.s32 v43, v52;
	v5 =	vmov s31;
	v7 =	vmov s26;
	v58 =	vld [tilespmem:s24+$0xA0];
	[tilespmem:v4+s16+$0x0] =	vst.idx.msk $0xffff, v3  }
0x11b: {  	s29 =	simm.s32 $0xC;
	s25 =	simm.s32 $0x9;
	v60 =	vmov s28;
	v13 =	vshrl.u32 v5, $0x3;
	v61 =	vld [tilespmem:s24+$0xFFFFFF20];
	[tilespmem:v2+s16+$0x0] =	vst.idx.msk $0xffff, v1;
	v1 =	vadd.s32 v19, v49  }
0x11c: {  	s31 =	simm.s32 $0xE;
	v5 =	vmov s25;
	v62 =	vmov s29;
	v4 =	vadd.s32 v24, v9;
	[tilespmem:v11+s16+$0x0] =	vst.idx.msk $0xffff, v10;
	v2 =	vld [tilespmem:s24+$0xFFFFFF70]  }
0x11d: {  	s23 =	sor.u32 $0x1, s21;
	s26 =	simm.s32 $0xF;
	v55 =	vmov s31;
	s25 =	simm.s32 $0x10;
	v63 =	vshll.u32 v13, v17;
	v3 =	vld [tilespmem:s24+$0xFFFFFFB0];
	[tilespmem:v8+s16+$0x0] =	vst.idx.msk $0xffff, v6;
	v6 =	vadd.s32 v28, v12  }
.LBB2_7:
0x11e: {  	p0 =	slt.u32 s25, $0x78;
	v5 =	vshrl.u32 v5, $0x3;
	v8 =	vmov s26;
	v9 =	vld [tilespmem:s24+$0xFFFFFFF0];
	v10 =	vadd.s32 v32, v51;
	[tilespmem:v57+s16+$0x0] =	vst.idx.msk $0xffff, v56  }
0x11f: {  	v7 =	vshrl.u32 v7, $0x3;
	v12 =	vadd.s32 v36, v50;
	v8 =	vshrl.u32 v8, $0x3;
	v11 =	vld [tilespmem:s24+$0x30];
	[tilespmem:v59+s16+$0x0] =	vst.idx.msk $0xffff, v58  }
0x120: {  	v13 =	vshrl.u32 v60, $0x3;
	v50 =	vadd.s32 v40, v53;
	v8 =	vshll.u32 v8, v17;
	[tilespmem:v1+s16+$0x0] =	vst.idx.msk $0xffff, v61;
	v1 =	vld [tilespmem:s24+$0x70]  }
0x121: {  	v53 =	vshrl.u32 v62, $0x3;
	v8 =	vbroadcast v8, $0x0;
	[tilespmem:v4+s16+$0x0] =	vst.idx.msk $0xffff, v2;
	v2 =	vld [tilespmem:s24+$0xB0];
	v4 =	vadd.s32 v44, v52  }
0x122: {  	v56 =	vadd.s32 v20, v49;
	v49 =	vbroadcast v63, $0x0;
	v5 =	vshll.u32 v5, v17;
	v52 =	vld [tilespmem:s24+$0xFFFFFF30];
	[tilespmem:v6+s16+$0x0] =	vst.idx.msk $0xffff, v3;
	s24 =	sadd.s32 $0x200, s24  }
0x123: {  	v3 =	vbroadcast v5, $0x0;
	v5 =	vshll.u32 v7, v17;
	v6 =	vld [tilespmem:s24+$0xC0];
	v7 =	vadd.s32 v45, v8;
	[tilespmem:v10+s16+$0x0] =	vst.idx.msk $0xffff, v9  }
0x124: {  	v10 =	vadd.s32 v14, v49;
	v15 =	vbroadcast v5, $0x0;
	v5 =	vshll.u32 v13, v17;
	v9 =	vld [tilespmem:s24+$0xFFFFFF00];
	[tilespmem:v12+s16+$0x0] =	vst.idx.msk $0xffff, v11  }
0x125: {  	v12 =	vadd.s32 v21, v3;
	v51 =	vbroadcast v5, $0x0;
	v5 =	vshll.u32 v53, v17;
	v11 =	vld [tilespmem:s24+$0xFFFFFF40];
	[tilespmem:v50+s16+$0x0] =	vst.idx.msk $0xffff, v1  }
0x126: {  	v13 =	vadd.s32 v25, v15;
	v50 =	vbroadcast v5, $0x0;
	v5 =	vshrl.u32 v54, $0x3;
	v1 =	vld [tilespmem:s24+$0xFFFFFF80];
	[tilespmem:v4+s16+$0x0] =	vst.idx.msk $0xffff, v2  }
0x127: {  	v54 =	vshrl.u32 v55, $0x3;
	v4 =	vadd.s32 v29, v51;
	v5 =	vshll.u32 v5, v17;
	v2 =	vld [tilespmem:s24+$0xFFFFFFC0];
	[tilespmem:v56+s16+$0x0] =	vst.idx.msk $0xffff, v52  }
0x128: {  	v56 =	vadd.s32 v33, v50;
	v53 =	vbroadcast v5, $0x0;
	v5 =	vshll.u32 v54, v17;
	v55 =	vld [tilespmem:s24+$0x0];
	[tilespmem:v7+s16+$0x0] =	vst.idx.msk $0xffff, v6  }
0x129: {  	v52 =	vbroadcast v5, $0x0;
	v6 =	vadd.s32 v46, v8;
	[tilespmem:v10+s16+$0x0] =	vst.idx.msk $0xffff, v9;
	v5 =	vld [tilespmem:s24+$0xD0]  }
0x12a: {  	v9 =	vadd.s32 v37, v53;
	[tilespmem:v12+s16+$0x0] =	vst.idx.msk $0xffff, v11;
	v7 =	vld [tilespmem:s24+$0x40]  }
0x12b: {  	v10 =	vadd.s32 v41, v52;
	[tilespmem:v13+s16+$0x0] =	vst.idx.msk $0xffff, v1;
	v1 =	vld [tilespmem:s24+$0x80]  }
0x12c: {  	v12 =	vadd.s32 v22, v3;
	v11 =	vld [tilespmem:s24+$0xFFFFFF50];
	[tilespmem:v4+s16+$0x0] =	vst.idx.msk $0xffff, v2  }
0x12d: {  	v4 =	vadd.s32 v26, v15;
	v2 =	vld [tilespmem:s24+$0xFFFFFF90];
	[tilespmem:v56+s16+$0x0] =	vst.idx.msk $0xffff, v55  }
0x12e: {  	v54 =	vadd.s32 v30, v51;
	v13 =	vld [tilespmem:s24+$0xFFFFFFD0];
	[tilespmem:v6+s16+$0x0] =	vst.idx.msk $0xffff, v5  }
0x12f: {  	v6 =	vadd.s32 v47, v8;
	[tilespmem:v9+s16+$0x0] =	vst.idx.msk $0xffff, v7;
	v5 =	vld [tilespmem:s24+$0xE0]  }
0x130: {  	v9 =	vadd.s32 v34, v50;
	v7 =	vld [tilespmem:s24+$0x10];
	[tilespmem:v10+s16+$0x0] =	vst.idx.msk $0xffff, v1  }
0x131: {  	v10 =	vadd.s32 v38, v53;
	[tilespmem:v12+s16+$0x0] =	vst.idx.msk $0xffff, v11;
	v1 =	vld [tilespmem:s24+$0x50]  }
0x132: {  	[tilespmem:v4+s16+$0x0] =	vst.idx.msk $0xffff, v2;
	v2 =	vld [tilespmem:s24+$0x90];
	v4 =	vadd.s32 v42, v52  }
0x133: {  	v12 =	vadd.s32 v18, v49;
	v11 =	vld [tilespmem:s24+$0xFFFFFF10];
	[tilespmem:v54+s16+$0x0] =	vst.idx.msk $0xffff, v13  }
0x134: {  	v54 =	vadd.s32 v23, v3;
	v13 =	vld [tilespmem:s24+$0xFFFFFF60];
	[tilespmem:v6+s16+$0x0] =	vst.idx.msk $0xffff, v5  }
0x135: {  	[tilespmem:v9+s16+$0x0] =	vst.idx.msk $0xffff, v7;
	v6 =	vld [tilespmem:s24+$0xF0];
	v7 =	vadd.s32 v48, v8  }
0x136: {  	v9 =	vadd.s32 v27, v15;
	v8 =	vld [tilespmem:s24+$0xFFFFFFA0];
	[tilespmem:v10+s16+$0x0] =	vst.idx.msk $0xffff, v1  }
0x137: {  	v55 =	vadd.s32 v31, v51;
	v10 =	vld [tilespmem:s24+$0xFFFFFFE0];
	[tilespmem:v4+s16+$0x0] =	vst.idx.msk $0xffff, v2  }
0x138: {  	[tilespmem:v12+s16+$0x0] =	vst.idx.msk $0xffff, v11;
	v11 =	vld [tilespmem:s24+$0x20];
	v12 =	vadd.s32 v35, v50  }
.Ltmp4:
0x139: {  	s26 =	sadd.s32 $0x1, s25;
	v57 =	vadd.s32 v39, v53;
	v1 =	vmov s25;
	[tilespmem:v54+s16+$0x0] =	vst.idx.msk $0xffff, v13;
	v56 =	vld [tilespmem:s24+$0x60];
	(pc) =	sbr.rel @p0 .LBB2_7-.Ltmp4, $4  }
0x13a: {  	s28 =	sadd.s32 $0x3, s25;
	v59 =	vadd.s32 v43, v52;
	v5 =	vmov s26;
	s26 =	sadd.s32 $0x2, s25;
	v13 =	vshrl.u32 v1, $0x3;
	v58 =	vld [tilespmem:s24+$0xA0];
	[tilespmem:v7+s16+$0x0] =	vst.idx.msk $0xffff, v6  }
0x13b: {  	v60 =	vmov s28;
	s28 =	sadd.s32 $0x5, s25;
	v1 =	vadd.s32 v19, v49;
	v7 =	vmov s26;
	s26 =	sadd.s32 $0x4, s25;
	v61 =	vld [tilespmem:s24+$0xFFFFFF20];
	[tilespmem:v9+s16+$0x0] =	vst.idx.msk $0xffff, v8  }
0x13c: {  	v4 =	vadd.s32 v24, v3;
	v54 =	vmov s28;
	v62 =	vmov s26;
	s26 =	sadd.s32 $0x6, s25;
	v2 =	vld [tilespmem:s24+$0xFFFFFF70];
	[tilespmem:v55+s16+$0x0] =	vst.idx.msk $0xffff, v10  }
0x13d: {  	v63 =	vshll.u32 v13, v17;
	v6 =	vadd.s32 v28, v15;
	v55 =	vmov s26;
	s26 =	sadd.s32 $0x7, s25;
	s25 =	sadd.s32 $0x8, s25;
	v3 =	vld [tilespmem:s24+$0xFFFFFFB0];
	[tilespmem:v12+s16+$0x0] =	vst.idx.msk $0xffff, v11  }
0x13e: {  	_ =	sdelay $0x2  }
0x13f: {  	v5 =	vshrl.u32 v5, $0x3;
	v8 =	vmov s26  }
0x140: {  	v9 =	vld [tilespmem:s24+$0xFFFFFFF0];
	v10 =	vadd.s32 v32, v51;
	[tilespmem:v57+s16+$0x0] =	vst.idx.msk $0xffff, v56;
	v7 =	vshrl.u32 v7, $0x3;
	v12 =	vadd.s32 v36, v50  }
0x141: {  	v11 =	vld [tilespmem:s24+$0x30];
	v13 =	vshrl.u32 v60, $0x3;
	v15 =	vadd.s32 v40, v53;
	v51 =	vbroadcast v63, $0x0;
	[tilespmem:v59+s16+$0x0] =	vst.idx.msk $0xffff, v58  }
0x142: {  	v57 =	vadd.s32 v44, v52;
	v49 =	vadd.s32 v20, v49;
	s29 =	sadd.s32 $0x200, s24;
	v8 =	vshrl.u32 v8, $0x3;
	[tilespmem:v1+s16+$0x0] =	vst.idx.msk $0xffff, v61;
	v1 =	vld [tilespmem:s24+$0x70]  }
0x143: {  	v56 =	vshrl.u32 v62, $0x3;
	v8 =	vshll.u32 v8, v17;
	v61 =	vld [tilespmem:s29+$0xFFFFFF00];
	v62 =	vadd.s32 v14, v51;
	[tilespmem:v4+s16+$0x0] =	vst.idx.msk $0xffff, v2  }
0x144: {  	v5 =	vshll.u32 v5, v17;
	v59 =	vshll.u32 v7, v17;
	v8 =	vbroadcast v8, $0x0;
	v2 =	vld [tilespmem:s24+$0xB0];
	[tilespmem:v6+s16+$0x0] =	vst.idx.msk $0xffff, v3  }
0x145: {  	v50 =	vshll.u32 v56, v17;
	v56 =	vshrl.u32 v54, $0x3;
	v58 =	vld [tilespmem:s24+$0xFFFFFF30];
	v3 =	vbroadcast v5, $0x0;
	[tilespmem:v10+s16+$0x0] =	vst.idx.msk $0xffff, v9  }
0x146: {  	v53 =	vshll.u32 v56, v17;
	v6 =	vld [tilespmem:s29+$0xC0];
	v5 =	vbroadcast v59, $0x0;
	v60 =	vadd.s32 v45, v8;
	[tilespmem:v12+s16+$0x0] =	vst.idx.msk $0xffff, v11  }
0x147: {  	v13 =	vshll.u32 v13, v17;
	v63 =	vld [tilespmem:s29+$0xFFFFFF40];
	v53 =	vbroadcast v53, $0x0;
	v12 =	vadd.s32 v21, v3;
	[tilespmem:v15+s16+$0x0] =	vst.idx.msk $0xffff, v1  }
0x148: {  	v13 =	vbroadcast v13, $0x0;
	v1 =	vld [tilespmem:s29+$0xFFFFFF80];
	v15 =	vadd.s32 v25, v5;
	[tilespmem:v62+s16+$0x0] =	vst.idx.msk $0xffff, v61  }
0x149: {  	v50 =	vbroadcast v50, $0x0;
	v61 =	vld [tilespmem:s29+$0x40];
	v62 =	vadd.s32 v37, v53;
	[tilespmem:v57+s16+$0x0] =	vst.idx.msk $0xffff, v2;
	v57 =	vshrl.u32 v55, $0x3  }
0x14a: {  	v4 =	vadd.s32 v29, v13;
	v2 =	vld [tilespmem:s29+$0xFFFFFFC0];
	[tilespmem:v49+s16+$0x0] =	vst.idx.msk $0xffff, v58;
	v54 =	vshll.u32 v57, v17  }
0x14b: {  	v59 =	vadd.s32 v33, v50;
	v58 =	vld [tilespmem:s29+$0x0];
	[tilespmem:v60+s16+$0x0] =	vst.idx.msk $0xffff, v6;
	v6 =	vbroadcast v54, $0x0  }
0x14c: {  	v60 =	vadd.s32 v46, v8;
	v7 =	vld [tilespmem:s29+$0xD0];
	[tilespmem:v12+s16+$0x0] =	vst.idx.msk $0xffff, v63  }
0x14d: {  	[tilespmem:v15+s16+$0x0] =	vst.idx.msk $0xffff, v1;
	v1 =	vld [tilespmem:s29+$0x80];
	v12 =	vadd.s32 v41, v6  }
0x14e: {  	v63 =	vadd.s32 v22, v3;
	v15 =	vld [tilespmem:s29+$0xFFFFFF50];
	[tilespmem:v62+s16+$0x0] =	vst.idx.msk $0xffff, v61  }
0x14f: {  	v56 =	vadd.s32 v26, v5;
	[tilespmem:v4+s16+$0x0] =	vst.idx.msk $0xffff, v2;
	v2 =	vld [tilespmem:s29+$0xFFFFFF90]  }
0x150: {  	[tilespmem:v59+s16+$0x0] =	vst.idx.msk $0xffff, v58;
	v58 =	vadd.s32 v30, v13;
	v57 =	vld [tilespmem:s29+$0xFFFFFFD0]  }
0x151: {  	v61 =	vadd.s32 v34, v50;
	[tilespmem:v60+s16+$0x0] =	vst.idx.msk $0xffff, v7;
	v60 =	vld [tilespmem:s29+$0x10]  }
0x152: {  	v59 =	vadd.s32 v47, v8;
	v7 =	vld [tilespmem:s29+$0xE0];
	[tilespmem:v12+s16+$0x0] =	vst.idx.msk $0xffff, v1  }
0x153: {  	[tilespmem:v63+s16+$0x0] =	vst.idx.msk $0xffff, v15;
	v1 =	vld [tilespmem:s29+$0x50];
	v12 =	vadd.s32 v38, v53  }
0x154: {  	v15 =	vld [tilespmem:s29+$0xFFFFFF10];
	v63 =	vadd.s32 v18, v51;
	[tilespmem:v56+s16+$0x0] =	vst.idx.msk $0xffff, v2  }
0x155: {  	v62 =	vadd.s32 v42, v6;
	v2 =	vld [tilespmem:s29+$0x90];
	[tilespmem:v58+s16+$0x0] =	vst.idx.msk $0xffff, v57  }
0x156: {  	v56 =	vld [tilespmem:s29+$0xFFFFFF60];
	v57 =	vadd.s32 v23, v3;
	[tilespmem:v61+s16+$0x0] =	vst.idx.msk $0xffff, v60  }
0x157: {  	v58 =	vld [tilespmem:s29+$0xFFFFFFA0];
	[tilespmem:v59+s16+$0x0] =	vst.idx.msk $0xffff, v7;
	v59 =	vadd.s32 v27, v5  }
0x158: {  	v60 =	vadd.s32 v31, v13;
	[tilespmem:v12+s16+$0x0] =	vst.idx.msk $0xffff, v1;
	v1 =	vld [tilespmem:s29+$0xFFFFFFE0]  }
0x159: {  	v8 =	vadd.s32 v48, v8;
	[tilespmem:v63+s16+$0x0] =	vst.idx.msk $0xffff, v15;
	v7 =	vld [tilespmem:s29+$0xF0]  }
0x15a: {  	v61 =	vadd.s32 v35, v50;
	[tilespmem:v62+s16+$0x0] =	vst.idx.msk $0xffff, v2;
	v2 =	vld [tilespmem:s29+$0x20]  }
0x15b: {  	v15 =	vadd.s32 v39, v53;
	v12 =	vld [tilespmem:s29+$0x60];
	[tilespmem:v57+s16+$0x0] =	vst.idx.msk $0xffff, v56  }
0x15c: {  	v63 =	vadd.s32 v43, v6;
	v62 =	vld [tilespmem:s29+$0xA0];
	[tilespmem:v59+s16+$0x0] =	vst.idx.msk $0xffff, v58  }
0x15d: {  	v55 =	vld [tilespmem:s29+$0xFFFFFF20];
	v56 =	vadd.s32 v19, v51;
	[tilespmem:v60+s16+$0x0] =	vst.idx.msk $0xffff, v1  }
0x15e: {  	v3 =	vadd.s32 v24, v3;
	v57 =	vld [tilespmem:s29+$0xFFFFFF70];
	[tilespmem:v8+s16+$0x0] =	vst.idx.msk $0xffff, v7  }
0x15f: {  	v5 =	vadd.s32 v28, v5;
	v1 =	vld [tilespmem:s29+$0xFFFFFFB0];
	[tilespmem:v61+s16+$0x0] =	vst.idx.msk $0xffff, v2  }
0x160: {  	v58 =	vadd.s32 v32, v13;
	v2 =	vld [tilespmem:s29+$0xFFFFFFF0];
	[tilespmem:v15+s16+$0x0] =	vst.idx.msk $0xffff, v12  }
0x161: {  	v60 =	vadd.s32 v36, v50;
	v59 =	vld [tilespmem:s29+$0x30];
	[tilespmem:v63+s16+$0x0] =	vst.idx.msk $0xffff, v62  }
0x162: {  	s25 =	smulhi.u32 $0x51EB851F, s23;
	[tilespmem:v56+s16+$0x0] =	vst.idx.msk $0xffff, v55;
	v61 =	vld [tilespmem:s29+$0x70];
	v62 =	vadd.s32 v40, v53  }
0x163: {  	v6 =	vadd.s32 v44, v6;
	[tilespmem:v3+s16+$0x0] =	vst.idx.msk $0xffff, v57;
	v3 =	vld [tilespmem:s29+$0xB0]  }
0x164: {  	s30 =	sshrl.u32 s25, $0x4;
	v12 =	vadd.s32 v20, v51;
	v63 =	vld [tilespmem:s29+$0xFFFFFF30];
	[tilespmem:v5+s16+$0x0] =	vst.idx.msk $0xffff, v1  }
0x165: {  	s24 =	smul.u32 $0x32, s30;
	[tilespmem:v58+s16+$0x0] =	vst.idx.msk $0xffff, v2  }
0x166: {  	[tilespmem:v60+s16+$0x0] =	vst.idx.msk $0xffff, v59  }
0x167: {  	s31 =	ssub.s32 s23, s24;
	[tilespmem:v62+s16+$0x0] =	vst.idx.msk $0xffff, v61  }
0x168: {  	s23 =	sshll.u32 s31, $0x11;
	[tilespmem:v6+s16+$0x0] =	vst.idx.msk $0xffff, v3  }
0x169: {  	s24 =	simm.s32 $0xC700;
	s23 =	sadd.s32 s23, s22;
	[tilespmem:v12+s16+$0x0] =	vst.idx.msk $0xffff, v63  }
0x16a: {  	[hbm4b:s23+s2] =	stream.linear.scatter [tilespmem:s24], [sflag:$0x5], $0x80, $0x38;
	[tilespmem:$0xE900] =	vst v63  }
0x16b: {  	s25 =	simm.s32 $0xC788;
	s26 =	sadd.s32 $0x10, s23  }
0x16c: {  	[hbm4b:s26+s2] =	stream.linear.scatter [tilespmem:s25], [sflag:$0x5], $0x80, $0x38;
	[tilespmem:$0xE900] =	vst v63  }
0x16d: {  	s28 =	simm.s32 $0xC810;
	s30 =	simm.s32 $0xC898;
	s29 =	sadd.s32 $0x20, s23  }
0x16e: {  	[hbm4b:s29+s2] =	stream.linear.scatter [tilespmem:s28], [sflag:$0x5], $0x80, $0x38;
	[tilespmem:$0xE900] =	vst v63  }
0x16f: {  	s22 =	simm.s32 $0x440;
	s31 =	sadd.s32 $0x30, s23;
	s24 =	simm.s32 $0x2200  }
0x170: {  	[hbm4b:s31+s2] =	stream.linear.scatter [tilespmem:s30], [sflag:$0x5], $0x80, $0x38;
	[tilespmem:$0xE900] =	vst v63  }
0x171: {  	s25 =	simm.s32 $0xC920;
	s26 =	sadd.s32 $0x40, s23;
	s28 =	simm.s32 $0xC9A8  }
0x172: {  	[hbm4b:s26+s2] =	stream.linear.scatter [tilespmem:s25], [sflag:$0x5], $0x80, $0x38;
	[tilespmem:$0xE900] =	vst v63  }
0x173: {  	s29 =	sadd.s32 $0x50, s23;
	s30 =	simm.s32 $0xCA30;
	s31 =	sadd.s32 $0x60, s23  }
0x174: {  	[hbm4b:s29+s2] =	stream.linear.scatter [tilespmem:s28], [sflag:$0x5], $0x80, $0x38;
	[tilespmem:$0xE900] =	vst v63  }
0x175: {  	s25 =	simm.s32 $0xCAB8;
	s26 =	sadd.s32 $0x70, s23;
	s23 =	sadd.s32 $0x4000, s23  }
0x176: {  	[hbm4b:s31+s2] =	stream.linear.scatter [tilespmem:s30], [sflag:$0x5], $0x80, $0x38;
	[tilespmem:$0xE900] =	vst v63  }
.LBB2_9:
0x177: {  	[hbm4b:s26+s2] =	stream.linear.scatter [tilespmem:s25], [sflag:$0x5], $0x80, $0x38;
	[tilespmem:$0xE900] =	vst v63  }
0x178: {  	s25 =	smov.u32 s22;
	s22 =	smov.u32 s24  }
0x179: {  	s28 =	sadd.s32 $0x1100, s24;
	s22 =	sshra.s32 s22, $0x2;
	s26 =	sadd.s32 $0xC700, s25  }
0x17a: {  	[hbm4b:s23+s2] =	stream.linear.scatter [tilespmem:s26], [sflag:$0x5], $0x80, $0x38;
	[tilespmem:$0xE900] =	vst v63  }
0x17b: {  	p0 =	sne.s32 s24, $0x7700;
	s24 =	sadd.s32 $0xC788, s25;
	s26 =	sadd.s32 $0x10, s23  }
0x17c: {  	[hbm4b:s26+s2] =	stream.linear.scatter [tilespmem:s24], [sflag:$0x5], $0x80, $0x38;
	[tilespmem:$0xE900] =	vst v63  }
0x17d: {  	s24 =	sadd.s32 $0xC810, s25;
	s26 =	sadd.s32 $0x20, s23  }
0x17e: {  	[hbm4b:s26+s2] =	stream.linear.scatter [tilespmem:s24], [sflag:$0x5], $0x80, $0x38;
	[tilespmem:$0xE900] =	vst v63  }
0x17f: {  	s24 =	sadd.s32 $0xC898, s25;
	s26 =	sadd.s32 $0x30, s23  }
0x180: {  	[hbm4b:s26+s2] =	stream.linear.scatter [tilespmem:s24], [sflag:$0x5], $0x80, $0x38;
	[tilespmem:$0xE900] =	vst v63  }
0x181: {  	s24 =	sadd.s32 $0xC920, s25;
	s26 =	sadd.s32 $0x40, s23  }
0x182: {  	[hbm4b:s26+s2] =	stream.linear.scatter [tilespmem:s24], [sflag:$0x5], $0x80, $0x38;
	[tilespmem:$0xE900] =	vst v63  }
.Ltmp5:
0x183: {  	s24 =	sadd.s32 $0xC9A8, s25;
	s26 =	sadd.s32 $0x50, s23;
	(pc) =	sbr.rel @p0 .LBB2_9-.Ltmp5, $4  }
0x184: {  	[hbm4b:s26+s2] =	stream.linear.scatter [tilespmem:s24], [sflag:$0x5], $0x80, $0x38;
	[tilespmem:$0xE900] =	vst v63  }
0x185: {  	s24 =	sadd.s32 $0xCA30, s25;
	s26 =	sadd.s32 $0x60, s23;
	s25 =	sadd.s32 $0xCAB8, s25  }
0x186: {  	[hbm4b:s26+s2] =	stream.linear.scatter [tilespmem:s24], [sflag:$0x5], $0x80, $0x38;
	[tilespmem:$0xE900] =	vst v63  }
0x187: {  	s26 =	sadd.s32 $0x70, s23;
	s23 =	sadd.s32 $0x4000, s23;
	s24 =	smov.u32 s28  }
0x188: {  	[hbm4b:s26+s2] =	stream.linear.scatter [tilespmem:s25], [sflag:$0x5], $0x80, $0x38;
	[tilespmem:$0xE900] =	vst v63  }
0x189: {  	s24 =	sadd.s32 $0xC700, s22  }
0x18a: {  	[hbm4b:s23+s2] =	stream.linear.scatter [tilespmem:s24], [sflag:$0x5], $0x80, $0x38;
	[tilespmem:$0xE900] =	vst v63  }
0x18b: {  	s30 =	sadd.s32 $0xC788, s22;
	s31 =	sadd.s32 $0x10, s23  }
0x18c: {  	[hbm4b:s31+s2] =	stream.linear.scatter [tilespmem:s30], [sflag:$0x5], $0x80, $0x38;
	[tilespmem:$0xE900] =	vst v63  }
0x18d: {  	s25 =	sadd.s32 $0xC810, s22;
	s26 =	sadd.s32 $0x20, s23  }
0x18e: {  	[hbm4b:s26+s2] =	stream.linear.scatter [tilespmem:s25], [sflag:$0x5], $0x80, $0x38;
	[tilespmem:$0xE900] =	vst v63  }
0x18f: {  	s28 =	sadd.s32 $0xC898, s22;
	s29 =	sadd.s32 $0x30, s23  }
0x190: {  	[hbm4b:s29+s2] =	stream.linear.scatter [tilespmem:s28], [sflag:$0x5], $0x80, $0x38;
	[tilespmem:$0xE900] =	vst v63  }
0x191: {  	s30 =	sadd.s32 $0xC920, s22;
	s31 =	sadd.s32 $0x40, s23  }
0x192: {  	[hbm4b:s31+s2] =	stream.linear.scatter [tilespmem:s30], [sflag:$0x5], $0x80, $0x38;
	[tilespmem:$0xE900] =	vst v63  }
0x193: {  	s25 =	sadd.s32 $0xC9A8, s22;
	s26 =	sadd.s32 $0x50, s23  }
0x194: {  	[hbm4b:s26+s2] =	stream.linear.scatter [tilespmem:s25], [sflag:$0x5], $0x80, $0x38;
	[tilespmem:$0xE900] =	vst v63  }
.Ltmp6:
0x195: {  	_ = 	snop;
	(pc) =	sbr.rel @p1 .LBB2_12-.Ltmp6, $4  }
0x196: {  	s28 =	sadd.s32 $0xCA30, s22;
	s29 =	sadd.s32 $0x60, s23  }
0x197: {  	[hbm4b:s29+s2] =	stream.linear.scatter [tilespmem:s28], [sflag:$0x5], $0x80, $0x38;
	[tilespmem:$0xE900] =	vst v63  }
0x198: {  	s30 =	sadd.s32 $0xCAB8, s22;
	s31 =	sadd.s32 $0x70, s23  }
0x199: {  	[hbm4b:s31+s2] =	stream.linear.scatter [tilespmem:s30], [sflag:$0x5], $0x80, $0x38;
	[tilespmem:$0xE900] =	vst v63  }
0x19a: {  	s21 =	sadd.s32 $0x3, s21  }
0x19b: {  	s22 =	smulhi.u32 $0x51EB851F, s21;
	_ =	sdelay $0x1  }
0x19c: {  	s22 =	sshrl.u32 s22, $0x4  }
0x19d: {  	s23 =	smul.u32 $0x32, s22  }
0x19e: {  	s22 =	smul.u32 $0x1900, s22  }
0x19f: {  	s21 =	ssub.s32 s21, s23  }
0x1a0: {  	s21 =	sor.u32 s21, s22  }
0x1a1: {  	v1 =	vadd.s32 s21, v0;
	_ =	sdelay $0x4  }
0x1a2: {  	s22 =	sadd.s32 $0x320, s21;
	v1 =	vld.idx.msk [tilespmem:v1+s2+$0x0], $0xffff  }
0x1a3: {  	v2 =	vadd.s32 s22, v0;
	_ =	sdelay $0x3  }
0x1a4: {  	[tilespmem:$0x6480] =	vst v1  }
0x1a5: {  	s26 =	sadd.s32 $0x640, s21;
	v1 =	vld.idx.msk [tilespmem:v2+s2+$0x0], $0xffff  }
0x1a6: {  	v2 =	vadd.s32 s26, v0;
	_ =	sdelay $0x3  }
0x1a7: {  	[tilespmem:$0x6490] =	vst v1  }
0x1a8: {  	s28 =	sadd.s32 $0x960, s21;
	v1 =	vld.idx.msk [tilespmem:v2+s2+$0x0], $0xffff  }
0x1a9: {  	v2 =	vadd.s32 s28, v0;
	_ =	sdelay $0x3  }
0x1aa: {  	[tilespmem:$0x64A0] =	vst v1  }
0x1ab: {  	s29 =	sadd.s32 $0xC80, s21;
	v1 =	vld.idx.msk [tilespmem:v2+s2+$0x0], $0xffff  }
0x1ac: {  	v2 =	vadd.s32 s29, v0;
	_ =	sdelay $0x3  }
0x1ad: {  	[tilespmem:$0x64B0] =	vst v1  }
0x1ae: {  	s30 =	sadd.s32 $0xFA0, s21;
	v1 =	vld.idx.msk [tilespmem:v2+s2+$0x0], $0xffff  }
0x1af: {  	v2 =	vadd.s32 s30, v0;
	_ =	sdelay $0x3  }
0x1b0: {  	[tilespmem:$0x64C0] =	vst v1  }
0x1b1: {  	s31 =	sadd.s32 $0x12C0, s21;
	v1 =	vld.idx.msk [tilespmem:v2+s2+$0x0], $0xffff  }
0x1b2: {  	v2 =	vadd.s32 s31, v0;
	_ =	sdelay $0x3  }
0x1b3: {  	[tilespmem:$0x64D0] =	vst v1  }
0x1b4: {  	s21 =	sadd.s32 $0x15E0, s21;
	v1 =	vld.idx.msk [tilespmem:v2+s2+$0x0], $0xffff  }
0x1b5: {  	v2 =	vadd.s32 s21, v0;
	_ =	sdelay $0x3  }
0x1b6: {  	[tilespmem:$0x64E0] =	vst v1  }
0x1b7: {  	v1 =	vld.idx.msk [tilespmem:v2+s2+$0x0], $0xffff;
	_ =	sdelay $0x1  }
.Ltmp7:
0x1b8: {  	_ = 	snop;
	(pc) =	sbr.rel .LBB2_2-.Ltmp7, $3  }
0x1b9: {  	_ =	sdelay $0x1  }
0x1ba: {  	s20 =	sadd.s32 $0x1, s20;
	[tilespmem:$0x64F0] =	vst v1  }
0x1bb: {  	[tilespmem:s12], [sflag:$0x3] =	stream.indirect.gather [hbm4b:s3+s8], $0x40, s11, s8, $0xb8;
	[tilespmem:$0xE900] =	vst v63  }
.LBB2_13:
0x1bc: {  	_ =	sfence.sel $0x180000  }
0x1bd: {  	[bflag:$0x0] =	sbarrier.arrive $0xFFFF  }
0x1be: {  	p0 =	sne.s32 s0, $0x0;
	_ =	strace $0x90000047  }
0x1bf: {  	s0 =	sadd.s32 @!p0 $0x100000, s1;
	[bflag:$0x2] =	sbarrier.arrive $0xFFFF  }
0x1c0: {  	[sflag:s0] =	ssyncadd.tile.s32 @!p0 $0x1;
	_ =	shalt  }
.Lfunc_end2:
_tile_overlayer_lowered:
.L_overlay_start_2:
0x1c1: {  	(tag) =	ssettag $0x2  }
0x1c2: {  	s0 =	rddreg [dreg:$0x0];
	s2 =	stileid.u32  }
0x1c3: {  	s1 =	rddreg [dreg:$0x1];
	p0 =	sne.s32 s2, $0x0  }
0x1c4: {  	s3 =	rddreg [dreg:$0x2];
	[bflag:$0x3] =	sbarrier.arrive $0xFFFF;
	s2 =	simm.s32 @!p0 $0x1C06  }
0x1c5: {  	[timem:s3], [sflag:s2] =	dma.local @!p0 [hbm:s0], s1  }
0x1c6: {  	s0 =	simm.s32 @!p0 $0x6  }
0x1c7: {  	_ =	swait.ge @!p0 [sflag:s0], s1  }
0x1c8: {  	s1 =	ssub.s32 @!p0 $0x0, s1;
	[sflag:s0] =	ssyncset.done @!p0 $0x0  }
0x1c9: {  	[sflag:s0] =	ssyncadd.s32 @!p0 s1  }
0x1ca: {  	[bflag:$0x3] =	sbarrier.arrive $0xFFFF  }
0x1cb: {  	_ =	shalt  }

</sc_bundles>
